<compile_context>
chip_gen: v7x
topology: tpu7x:2x2x1
jax: 0.10.2.dev20260603
libtpu: 0.0.44.dev20260713+nightly
codegen_flags: <defaults>
</compile_context>

<pallas_src>
import functools

import jax
import jax.numpy as jnp
from jax import lax
from jax.experimental import pallas as pl
from jax.experimental.pallas import tpu as pltpu
from jax.experimental.pallas import tpu_sc as plsc

NC = 2
NS = 16
NW = NC * NS
CHUNK = 88


def _round_up(a, m):
    return (a + m - 1) // m * m


def _make_deg(np_, rp, nchunk):
    mesh = plsc.VectorSubcoreMesh(core_axis_name="c", subcore_axis_name="s")

    @functools.partial(
        pl.kernel,
        out_type=jax.ShapeDtypeStruct((NC, np_, 16), jnp.float32),
        mesh=mesh,
        compiler_params=pltpu.CompilerParams(use_tc_tiling_on_sc=False),
        scratch_types=[
            pltpu.VMEM((nchunk, CHUNK), jnp.int32),
            pltpu.VMEM((CHUNK, 16), jnp.float32),
            pltpu.SemaphoreType.DMA,
            pltpu.VMEM_SHARED((np_, 16), jnp.float32),
        ],
    )
    def deg_kernel(dst_hbm, e0_hbm, zero_hbm, out_hbm, dst_v, e0_v, sem, acc):
        c = lax.axis_index("c")
        s = lax.axis_index("s")
        w = c * NS + s
        pltpu.sync_copy(dst_hbm.at[w], dst_v)
        pltpu.sync_copy(e0_hbm, e0_v)
        pltpu.sync_copy(zero_hbm, acc.at[pl.ds(s * rp, rp)])
        plsc.subcore_barrier()

        pltpu.async_copy(e0_v, acc.at[dst_v.at[0]], sem, add=True)

        @pl.loop(1, nchunk)
        def _(j):
            pltpu.async_copy(e0_v, acc.at[dst_v.at[j]], sem, add=True)
            pltpu.make_async_copy(e0_v, acc.at[dst_v.at[0]], sem).wait()

        pltpu.make_async_copy(e0_v, acc.at[dst_v.at[0]], sem).wait()

        plsc.subcore_barrier()
        pltpu.sync_copy(acc.at[pl.ds(s * rp, rp)], out_hbm.at[c, pl.ds(s * rp, rp)])

    return deg_kernel


def _make_prop(np_, rp, nchunk, d):
    mesh = plsc.VectorSubcoreMesh(core_axis_name="c", subcore_axis_name="s")

    @functools.partial(
        pl.kernel,
        out_type=jax.ShapeDtypeStruct((NC, np_, d), jnp.float32),
        mesh=mesh,
        compiler_params=pltpu.CompilerParams(use_tc_tiling_on_sc=False),
        scratch_types=[
            pltpu.VMEM((nchunk, CHUNK), jnp.int32),
            pltpu.VMEM((nchunk, CHUNK), jnp.int32),
            [pltpu.VMEM((CHUNK, d), jnp.float32) for _ in range(2)],
            [pltpu.SemaphoreType.DMA for _ in range(2)],
            [pltpu.SemaphoreType.DMA for _ in range(2)],
            pltpu.VMEM_SHARED((np_, d), jnp.float32),
        ],
    )
    def prop_kernel(g_hbm, src_hbm, dst_hbm, zero_hbm, out_hbm,
                    src_v, dst_v, bufs, gsems, ssems, acc):
        c = lax.axis_index("c")
        s = lax.axis_index("s")
        w = c * NS + s
        pltpu.sync_copy(src_hbm.at[w], src_v)
        pltpu.sync_copy(dst_hbm.at[w], dst_v)
        pltpu.sync_copy(zero_hbm, acc.at[pl.ds(s * rp, rp)])
        plsc.subcore_barrier()

        def g_start(j, b):
            pltpu.make_async_copy(
                g_hbm.at[src_v.at[j]], bufs[b], gsems[b]).start()

        def g_wait(j, b):
            pltpu.make_async_copy(
                g_hbm.at[src_v.at[j]], bufs[b], gsems[b]).wait()

        def s_start(j, b):
            pltpu.async_copy(bufs[b], acc.at[dst_v.at[j]], ssems[b], add=True)

        def s_wait(j, b):
            pltpu.make_async_copy(bufs[b], acc.at[dst_v.at[j]], ssems[b]).wait()

        g_start(0, 0)

        @pl.loop(0, nchunk, step=2)
        def _(g):
            for b in range(2):
                j = g + b
                g_wait(j, b)
                s_start(j, b)

                @pl.when(j + 1 < nchunk)
                def _():
                    @pl.when(j >= 1)
                    def _():
                        s_wait(j - 1, 1 - b)

                    g_start(j + 1, 1 - b)

        s_wait(nchunk - 2, nchunk % 2)
        s_wait(nchunk - 1, 1 - nchunk % 2)

        plsc.subcore_barrier()
        pltpu.sync_copy(acc.at[pl.ds(s * rp, rp)],
                        out_hbm.at[c, pl.ds(s * rp, rp)])

    return prop_kernel


def _tc_first(np_, r, din, d):
    def body(xr, w1r, dpr, gr, dsr):
        dp = dpr[...]
        deg = dp[0, :, 0] + dp[1, :, 0] + 1.0
        dsv = lax.rsqrt(deg)
        h = jnp.dot(xr[...], w1r[...], preferred_element_type=jnp.float32)
        gr[...] = h * dsv[:, None]
        dsr[...] = dsv[:, None]

    return pl.pallas_call(
        body,
        grid=(np_ // r,),
        in_specs=[
            pl.BlockSpec((r, din), lambda i: (i, 0)),
            pl.BlockSpec((din, d), lambda i: (0, 0)),
            pl.BlockSpec((2, r, 16), lambda i: (0, i, 0)),
        ],
        out_specs=[
            pl.BlockSpec((r, d), lambda i: (i, 0)),
            pl.BlockSpec((r, 1), lambda i: (i, 0)),
        ],
        out_shape=[
            jax.ShapeDtypeStruct((np_, d), jnp.float32),
            jax.ShapeDtypeStruct((np_, 1), jnp.float32),
        ],
    )


def _tc_mid(np_, r, d, dout):
    def body(pr, gr, dsr, br, w2r, outr):
        p = pr[...]
        dsv = dsr[...]
        h = jnp.maximum(dsv * (p[0] + p[1] + gr[...]) + br[...], 0.0)
        outr[...] = jnp.dot(h, w2r[...], preferred_element_type=jnp.float32) * dsv

    return pl.pallas_call(
        body,
        grid=(np_ // r,),
        in_specs=[
            pl.BlockSpec((2, r, d), lambda i: (0, i, 0)),
            pl.BlockSpec((r, d), lambda i: (i, 0)),
            pl.BlockSpec((r, 1), lambda i: (i, 0)),
            pl.BlockSpec((1, d), lambda i: (0, 0)),
            pl.BlockSpec((d, dout), lambda i: (0, 0)),
        ],
        out_specs=pl.BlockSpec((r, dout), lambda i: (i, 0)),
        out_shape=jax.ShapeDtypeStruct((np_, dout), jnp.float32),
    )


def _tc_last(np_, r, d):
    def body(pr, gr, dsr, br, wlr, blr, outr):
        p = pr[...]
        dsv = dsr[...]
        h = jnp.maximum(dsv * (p[0] + p[1] + gr[...]) + br[...], 0.0)
        outr[...] = jnp.dot(h, wlr[...], preferred_element_type=jnp.float32) + blr[...]

    return pl.pallas_call(
        body,
        grid=(np_ // r,),
        in_specs=[
            pl.BlockSpec((2, r, d), lambda i: (0, i, 0)),
            pl.BlockSpec((r, d), lambda i: (i, 0)),
            pl.BlockSpec((r, 1), lambda i: (i, 0)),
            pl.BlockSpec((1, d), lambda i: (0, 0)),
            pl.BlockSpec((d, 1), lambda i: (0, 0)),
            pl.BlockSpec((1, 1), lambda i: (0, 0)),
        ],
        out_specs=pl.BlockSpec((r, 1), lambda i: (i, 0)),
        out_shape=jax.ShapeDtypeStruct((np_, 1), jnp.float32),
    )


def kernel(x, edge_index, W1, b1, W2, b2, Wl, bl):
    n, din = x.shape
    e = edge_index.shape[1]
    d = W1.shape[1]
    dout = W2.shape[1]

    rp = _round_up(-(-(n + 1) // NS), 128)
    np_ = rp * NS
    e_pad = _round_up(e, NW * CHUNK * 2)
    nchunk = e_pad // (NW * CHUNK)

    src = edge_index[0].astype(jnp.int32)
    dst = edge_index[1].astype(jnp.int32)
    fill = jnp.full((e_pad - e,), n, jnp.int32)
    src3 = jnp.concatenate([src, fill]).reshape(NW, nchunk, CHUNK)
    dst3 = jnp.concatenate([dst, fill]).reshape(NW, nchunk, CHUNK)

    e0 = jnp.zeros((CHUNK, 16), jnp.float32).at[:, 0].set(1.0)
    z16 = jnp.zeros((rp, 16), jnp.float32)
    zd = jnp.zeros((rp, d), jnp.float32)

    degp = _make_deg(np_, rp, nchunk)(dst3, e0, z16)

    g1, ds = _tc_first(np_, rp, din, d)(x, W1, degp)
    s1 = _make_prop(np_, rp, nchunk, d)(g1, src3, dst3, zd)
    g2 = _tc_mid(np_, rp, d, dout)(s1, g1, ds, b1.reshape(1, d), W2)
    s2 = _make_prop(np_, rp, nchunk, dout)(g2, src3, dst3, zd)
    out = _tc_last(np_, rp, dout)(s2, g2, ds, b2.reshape(1, dout),
                                  Wl, bl.reshape(1, 1))
    return out[:n]

# --- scband reference (transcript-rebuilt; emitter-appended) ---
"""Pipeline reference for scband-gnn-29970281791606 (READ-ONLY COPY).

The authoritative reference and input builder live on the scoring server;
editing this copy changes nothing except your own understanding.
"""

import jax, jax.numpy as jnp
import numpy as np

N_NODES = 10000
N_EDGES = 320000
D_IN = 128
D_HID = 128
D_OUT = 128


def setup_inputs(seed: int = 0) -> dict:
    key = jax.random.key(seed)
    ks = jax.random.split(key, 8)
    x = jax.random.normal(ks[0], (N_NODES, D_IN), dtype=jnp.float32)
    edge_index = jax.random.randint(ks[1], (2, N_EDGES), 0, N_NODES, dtype=jnp.int64)
    W1 = jax.random.normal(ks[2], (D_IN, D_HID), dtype=jnp.float32) * 0.05
    b1 = jnp.zeros((D_HID,), dtype=jnp.float32)
    W2 = jax.random.normal(ks[3], (D_HID, D_OUT), dtype=jnp.float32) * 0.05
    b2 = jnp.zeros((D_OUT,), dtype=jnp.float32)
    Wl = jax.random.normal(ks[4], (D_OUT, 1), dtype=jnp.float32) * 0.05
    bl = jnp.zeros((1,), dtype=jnp.float32)
    return {"x": x, "edge_index": edge_index, "W1": W1, "b1": b1, "W2": W2, "b2": b2, "Wl": Wl, "bl": bl}


def gcn_conv(x, edge_index, W, b, num_nodes):
    # PyG GCNConv: x' = D^{-1/2} (A + I) D^{-1/2} (x W) + b
    h = x @ W
    src = edge_index[0]
    dst = edge_index[1]
    loop = jnp.arange(num_nodes, dtype=src.dtype)
    src = jnp.concatenate([src, loop])
    dst = jnp.concatenate([dst, loop])
    ones = jnp.ones_like(dst, dtype=h.dtype)
    deg = jnp.zeros((num_nodes,), dtype=h.dtype).at[dst].add(ones)
    deg_inv_sqrt = jnp.where(deg > 0, jax.lax.rsqrt(jnp.where(deg > 0, deg, 1.0)), 0.0)
    norm = deg_inv_sqrt[src] * deg_inv_sqrt[dst]
    msgs = h[src] * norm[:, None]
    out = jnp.zeros((num_nodes, h.shape[1]), dtype=h.dtype).at[dst].add(msgs)
    return out + b


def reference(x, edge_index, W1, b1, W2, b2, Wl, bl):
    n = x.shape[0]
    h = jax.nn.relu(gcn_conv(x, edge_index, W1, b1, n))
    h = jax.nn.relu(gcn_conv(h, edge_index, W2, b2, n))
    out = h @ Wl + bl
    return out

if __name__ == "__main__":
    import jax
    _d = setup_inputs()
    print(jax.jit(kernel)(*tuple(_d.values())))

</pallas_src>

<mosaic_0001>
#map = affine_map<(d0, d1) -> (0, 0)>
#map1 = affine_map<(d0, d1) -> (0, 0, 0)>
module attributes {stable_mosaic.version = 14 : i64} {
  func.func @prop_kernel(%arg0: i32, %arg1: i32, %arg2: memref<10240x128xf32, #tpu.memory_space<hbm>>, %arg3: memref<32x114x88xi32, #tpu.memory_space<hbm>>, %arg4: memref<32x114x88xi32, #tpu.memory_space<hbm>>, %arg5: memref<640x128xf32, #tpu.memory_space<hbm>>, %arg6: memref<2x10240x128xf32, #tpu.memory_space<hbm>>, %arg7: memref<114x88xi32, #tpu.memory_space<vmem>>, %arg8: memref<114x88xi32, #tpu.memory_space<vmem>>, %arg9: memref<88x128xf32, #tpu.memory_space<vmem>>, %arg10: memref<88x128xf32, #tpu.memory_space<vmem>>, %arg11: memref<!tpu.dma_semaphore, #tpu.memory_space<semaphore_mem>>, %arg12: memref<!tpu.dma_semaphore, #tpu.memory_space<semaphore_mem>>, %arg13: memref<!tpu.dma_semaphore, #tpu.memory_space<semaphore_mem>>, %arg14: memref<!tpu.dma_semaphore, #tpu.memory_space<semaphore_mem>>, %arg15: memref<10240x128xf32, #tpu.memory_space<vmem_shared>>) attributes {dimension_semantics = [#tpu.dimension_semantics<core_parallel>, #tpu.dimension_semantics<subcore_parallel>], iteration_bounds = array<i64: 2, 16>, scalar_prefetch = 0 : i64, scratch_operands = 9 : i64, tpu.core_type = #tpu.core_type<sc_vector_subcore>, window_params = [{transform_indices = #map}, {transform_indices = #map1}, {transform_indices = #map1}, {transform_indices = #map}, {transform_indices = #map1}]} {
    %mul3A = arith.constant 16 : i32
    %mul3A_0 = arith.muli %arg0, %mul3A : i32
    %add3A = arith.addi %mul3A_0, %arg1 : i32
    "tpu.region"() ({
      %run_scoped3A = tpu.sem_alloc : memref<!tpu.dma_semaphore, #tpu.memory_space<semaphore_mem>>
      %dma_start3A_31 = arith.constant 0 : i32
      %dma_start3A_32 = arith.constant 0 : i32
      %dma_start3A_33 = tpu.memref_slice %arg3[%add3A, %dma_start3A_31, %dma_start3A_32] : memref<32x114x88xi32, #tpu.memory_space<hbm>> -> memref<1x114x88xi32, #tpu.memory_space<hbm>>
      %dma_start3A_34 = tpu.memref_squeeze %dma_start3A_33 : memref<1x114x88xi32, #tpu.memory_space<hbm>> -> memref<114x88xi32, #tpu.memory_space<hbm>>
      %dma_start3A_35 = arith.constant 0 : i32
      %dma_start3A_36 = arith.constant 0 : i32
      %dma_start3A_37 = tpu.memref_slice %arg3[%add3A, %dma_start3A_35, %dma_start3A_36] : memref<32x114x88xi32, #tpu.memory_space<hbm>> -> memref<1x114x88xi32, #tpu.memory_space<hbm>>
      %dma_start3A_38 = tpu.memref_squeeze %dma_start3A_37 : memref<1x114x88xi32, #tpu.memory_space<hbm>> -> memref<114x88xi32, #tpu.memory_space<hbm>>
      tpu.enqueue_dma source(%dma_start3A_38 : memref<114x88xi32, #tpu.memory_space<hbm>>) target(%arg7 : memref<114x88xi32, #tpu.memory_space<vmem>>) target_semaphore(%run_scoped3A : memref<!tpu.dma_semaphore, #tpu.memory_space<semaphore_mem>>)
      %dma_wait3A_39 = arith.constant 0 : i32
      %dma_wait3A_40 = arith.constant 0 : i32
      %dma_wait3A_41 = tpu.memref_slice %arg3[%add3A, %dma_wait3A_39, %dma_wait3A_40] : memref<32x114x88xi32, #tpu.memory_space<hbm>> -> memref<1x114x88xi32, #tpu.memory_space<hbm>>
      %dma_wait3A_42 = tpu.memref_squeeze %dma_wait3A_41 : memref<1x114x88xi32, #tpu.memory_space<hbm>> -> memref<114x88xi32, #tpu.memory_space<hbm>>
      %dma_wait3A_43 = arith.constant 0 : i32
      %dma_wait3A_44 = arith.constant 0 : i32
      %dma_wait3A_45 = tpu.memref_slice %arg3[%add3A, %dma_wait3A_43, %dma_wait3A_44] : memref<32x114x88xi32, #tpu.memory_space<hbm>> -> memref<1x114x88xi32, #tpu.memory_space<hbm>>
      %dma_wait3A_46 = tpu.memref_squeeze %dma_wait3A_45 : memref<1x114x88xi32, #tpu.memory_space<hbm>> -> memref<114x88xi32, #tpu.memory_space<hbm>>
      tpu.wait_dma2 semaphore(%run_scoped3A : memref<!tpu.dma_semaphore, #tpu.memory_space<semaphore_mem>>) src(%dma_wait3A_46 : memref<114x88xi32, #tpu.memory_space<hbm>>) dst(%arg7 : memref<114x88xi32, #tpu.memory_space<vmem>>)
      tpu.yield
    }) : () -> ()
    "tpu.region"() ({
      %run_scoped3A = tpu.sem_alloc : memref<!tpu.dma_semaphore, #tpu.memory_space<semaphore_mem>>
      %dma_start3A_31 = arith.constant 0 : i32
      %dma_start3A_32 = arith.constant 0 : i32
      %dma_start3A_33 = tpu.memref_slice %arg4[%add3A, %dma_start3A_31, %dma_start3A_32] : memref<32x114x88xi32, #tpu.memory_space<hbm>> -> memref<1x114x88xi32, #tpu.memory_space<hbm>>
      %dma_start3A_34 = tpu.memref_squeeze %dma_start3A_33 : memref<1x114x88xi32, #tpu.memory_space<hbm>> -> memref<114x88xi32, #tpu.memory_space<hbm>>
      %dma_start3A_35 = arith.constant 0 : i32
      %dma_start3A_36 = arith.constant 0 : i32
      %dma_start3A_37 = tpu.memref_slice %arg4[%add3A, %dma_start3A_35, %dma_start3A_36] : memref<32x114x88xi32, #tpu.memory_space<hbm>> -> memref<1x114x88xi32, #tpu.memory_space<hbm>>
      %dma_start3A_38 = tpu.memref_squeeze %dma_start3A_37 : memref<1x114x88xi32, #tpu.memory_space<hbm>> -> memref<114x88xi32, #tpu.memory_space<hbm>>
      tpu.enqueue_dma source(%dma_start3A_38 : memref<114x88xi32, #tpu.memory_space<hbm>>) target(%arg8 : memref<114x88xi32, #tpu.memory_space<vmem>>) target_semaphore(%run_scoped3A : memref<!tpu.dma_semaphore, #tpu.memory_space<semaphore_mem>>)
      %dma_wait3A_39 = arith.constant 0 : i32
      %dma_wait3A_40 = arith.constant 0 : i32
      %dma_wait3A_41 = tpu.memref_slice %arg4[%add3A, %dma_wait3A_39, %dma_wait3A_40] : memref<32x114x88xi32, #tpu.memory_space<hbm>> -> memref<1x114x88xi32, #tpu.memory_space<hbm>>
      %dma_wait3A_42 = tpu.memref_squeeze %dma_wait3A_41 : memref<1x114x88xi32, #tpu.memory_space<hbm>> -> memref<114x88xi32, #tpu.memory_space<hbm>>
      %dma_wait3A_43 = arith.constant 0 : i32
      %dma_wait3A_44 = arith.constant 0 : i32
      %dma_wait3A_45 = tpu.memref_slice %arg4[%add3A, %dma_wait3A_43, %dma_wait3A_44] : memref<32x114x88xi32, #tpu.memory_space<hbm>> -> memref<1x114x88xi32, #tpu.memory_space<hbm>>
      %dma_wait3A_46 = tpu.memref_squeeze %dma_wait3A_45 : memref<1x114x88xi32, #tpu.memory_space<hbm>> -> memref<114x88xi32, #tpu.memory_space<hbm>>
      tpu.wait_dma2 semaphore(%run_scoped3A : memref<!tpu.dma_semaphore, #tpu.memory_space<semaphore_mem>>) src(%dma_wait3A_46 : memref<114x88xi32, #tpu.memory_space<hbm>>) dst(%arg8 : memref<114x88xi32, #tpu.memory_space<vmem>>)
      tpu.yield
    }) : () -> ()
    %mul3A_1 = arith.constant 640 : i32
    %mul3A_2 = arith.muli %arg1, %mul3A_1 : i32
    "tpu.region"() ({
      %run_scoped3A = tpu.sem_alloc : memref<!tpu.dma_semaphore, #tpu.memory_space<semaphore_mem>>
      %dma_start3A_31 = arith.constant 0 : i32
      %dma_start3A_32 = tpu.memref_slice %arg15[%mul3A_2, %dma_start3A_31] : memref<10240x128xf32, #tpu.memory_space<vmem_shared>> -> memref<640x128xf32, #tpu.memory_space<vmem_shared>>
      tpu.enqueue_dma source(%arg5 : memref<640x128xf32, #tpu.memory_space<hbm>>) target(%dma_start3A_32 : memref<640x128xf32, #tpu.memory_space<vmem_shared>>) target_semaphore(%run_scoped3A : memref<!tpu.dma_semaphore, #tpu.memory_space<semaphore_mem>>)
      %dma_wait3A_33 = arith.constant 0 : i32
      %dma_wait3A_34 = tpu.memref_slice %arg15[%mul3A_2, %dma_wait3A_33] : memref<10240x128xf32, #tpu.memory_space<vmem_shared>> -> memref<640x128xf32, #tpu.memory_space<vmem_shared>>
      tpu.wait_dma2 semaphore(%run_scoped3A : memref<!tpu.dma_semaphore, #tpu.memory_space<semaphore_mem>>) src(%arg5 : memref<640x128xf32, #tpu.memory_space<hbm>>) dst(%dma_wait3A_34 : memref<640x128xf32, #tpu.memory_space<vmem_shared>>)
      tpu.yield
    }) : () -> ()
    %barrier3A = arith.constant 0 : index
    tpu.barrier barrier_id(%barrier3A)
    %dma_start3A = arith.constant 0 : i32
    %dma_start3A_3 = arith.constant 0 : i32
    %dma_start3A_4 = tpu.memref_slice %arg7[%dma_start3A, %dma_start3A_3] : memref<114x88xi32, #tpu.memory_space<vmem>> -> memref<1x88xi32, #tpu.memory_space<vmem>>
    %dma_start3A_5 = tpu.memref_squeeze %dma_start3A_4 : memref<1x88xi32, #tpu.memory_space<vmem>> -> memref<88xi32, #tpu.memory_space<vmem>>
    %dma_start3A_6 = arith.constant 0 : i32
    %dma_start3A_7 = arith.constant 0 : i32
    %dma_start3A_8 = tpu.memref_slice %arg2[%dma_start3A_6, %dma_start3A_7] : memref<10240x128xf32, #tpu.memory_space<hbm>> -> memref<10240x128xf32, #tpu.memory_space<hbm>>
    tpu.enqueue_indirect_dma source(%dma_start3A_8 : memref<10240x128xf32, #tpu.memory_space<hbm>>) target(%arg9 : memref<88x128xf32, #tpu.memory_space<vmem>>) offsets(%dma_start3A_5 : memref<88xi32, #tpu.memory_space<vmem>>) semaphore(%arg11 : memref<!tpu.dma_semaphore, #tpu.memory_space<semaphore_mem>>)
    %scan3A = arith.constant 0 : i32
    %scan3A_9 = arith.constant 57 : i32
    %scan3A_10 = arith.addi %scan3A, %scan3A_9 : i32
    %scan3A_11 = arith.constant 1 : i32
    scf.for %scan3A_31 = %scan3A to %scan3A_10 step %scan3A_11  : i32 {
      %mul3A_32 = arith.constant 2 : i32
      %mul3A_33 = arith.muli %scan3A_31, %mul3A_32 : i32
      %add3A_34 = arith.constant 0 : i32
      %add3A_35 = arith.addi %add3A_34, %mul3A_33 : i32
      %add3A_36 = arith.constant 0 : i32
      %add3A_37 = arith.addi %add3A_35, %add3A_36 : i32
      %dma_wait3A_38 = arith.constant 0 : i32
      %dma_wait3A_39 = tpu.memref_slice %arg7[%add3A_37, %dma_wait3A_38] : memref<114x88xi32, #tpu.memory_space<vmem>> -> memref<1x88xi32, #tpu.memory_space<vmem>>
      %dma_wait3A_40 = tpu.memref_squeeze %dma_wait3A_39 : memref<1x88xi32, #tpu.memory_space<vmem>> -> memref<88xi32, #tpu.memory_space<vmem>>
      %dma_wait3A_41 = arith.constant 0 : i32
      %dma_wait3A_42 = arith.constant 0 : i32
      %dma_wait3A_43 = tpu.memref_slice %arg2[%dma_wait3A_41, %dma_wait3A_42] : memref<10240x128xf32, #tpu.memory_space<hbm>> -> memref<10240x128xf32, #tpu.memory_space<hbm>>
      tpu.wait_indirect_dma semaphore(%arg11 : memref<!tpu.dma_semaphore, #tpu.memory_space<semaphore_mem>>) src(%dma_wait3A_43 : memref<10240x128xf32, #tpu.memory_space<hbm>>) dst(%arg9 : memref<88x128xf32, #tpu.memory_space<vmem>>)
      %dma_start3A_44 = arith.constant 0 : i32
      %dma_start3A_45 = tpu.memref_slice %arg8[%add3A_37, %dma_start3A_44] : memref<114x88xi32, #tpu.memory_space<vmem>> -> memref<1x88xi32, #tpu.memory_space<vmem>>
      %dma_start3A_46 = tpu.memref_squeeze %dma_start3A_45 : memref<1x88xi32, #tpu.memory_space<vmem>> -> memref<88xi32, #tpu.memory_space<vmem>>
      %dma_start3A_47 = arith.constant 0 : i32
      %dma_start3A_48 = arith.constant 0 : i32
      %dma_start3A_49 = tpu.memref_slice %arg15[%dma_start3A_47, %dma_start3A_48] : memref<10240x128xf32, #tpu.memory_space<vmem_shared>> -> memref<10240x128xf32, #tpu.memory_space<vmem_shared>>
      tpu.enqueue_indirect_dma source(%arg9 : memref<88x128xf32, #tpu.memory_space<vmem>>) target(%dma_start3A_49 : memref<10240x128xf32, #tpu.memory_space<vmem_shared>>) offsets(%dma_start3A_46 : memref<88xi32, #tpu.memory_space<vmem>>) semaphore(%arg13 : memref<!tpu.dma_semaphore, #tpu.memory_space<semaphore_mem>>) {add = true}
      %add3A_50 = arith.constant 1 : i32
      %add3A_51 = arith.addi %add3A_37, %add3A_50 : i32
      %lt3A = arith.constant 114 : i32
      %lt3A_52 = arith.cmpi slt, %add3A_51, %lt3A : i32
      %convert_element_type3A = arith.extui %lt3A_52 : i1 to i32
      %cond3A = arith.constant 0 : i32
      %cond3A_53 = arith.cmpi ne, %convert_element_type3A, %cond3A : i32
      scf.if %cond3A_53 {
        %ge3A = arith.constant 1 : i32
        %ge3A_75 = arith.cmpi sge, %add3A_37, %ge3A : i32
        %convert_element_type3A_76 = arith.extui %ge3A_75 : i1 to i32
        %cond3A_77 = arith.constant 0 : i32
        %cond3A_78 = arith.cmpi ne, %convert_element_type3A_76, %cond3A_77 : i32
        scf.if %cond3A_78 {
          %sub3A = arith.constant 1 : i32
          %sub3A_87 = arith.subi %add3A_37, %sub3A : i32
          %dma_wait3A_88 = arith.constant 0 : i32
          %dma_wait3A_89 = tpu.memref_slice %arg8[%sub3A_87, %dma_wait3A_88] : memref<114x88xi32, #tpu.memory_space<vmem>> -> memref<1x88xi32, #tpu.memory_space<vmem>>
          %dma_wait3A_90 = tpu.memref_squeeze %dma_wait3A_89 : memref<1x88xi32, #tpu.memory_space<vmem>> -> memref<88xi32, #tpu.memory_space<vmem>>
          %dma_wait3A_91 = arith.constant 0 : i32
          %dma_wait3A_92 = arith.constant 0 : i32
          %dma_wait3A_93 = tpu.memref_slice %arg15[%dma_wait3A_91, %dma_wait3A_92] : memref<10240x128xf32, #tpu.memory_space<vmem_shared>> -> memref<10240x128xf32, #tpu.memory_space<vmem_shared>>
          tpu.wait_indirect_dma semaphore(%arg14 : memref<!tpu.dma_semaphore, #tpu.memory_space<semaphore_mem>>) src(%arg10 : memref<88x128xf32, #tpu.memory_space<vmem>>) dst(%dma_wait3A_93 : memref<10240x128xf32, #tpu.memory_space<vmem_shared>>)
        } else {
        }
        %add3A_79 = arith.constant 1 : i32
        %add3A_80 = arith.addi %add3A_37, %add3A_79 : i32
        %dma_start3A_81 = arith.constant 0 : i32
        %dma_start3A_82 = tpu.memref_slice %arg7[%add3A_80, %dma_start3A_81] : memref<114x88xi32, #tpu.memory_space<vmem>> -> memref<1x88xi32, #tpu.memory_space<vmem>>
        %dma_start3A_83 = tpu.memref_squeeze %dma_start3A_82 : memref<1x88xi32, #tpu.memory_space<vmem>> -> memref<88xi32, #tpu.memory_space<vmem>>
        %dma_start3A_84 = arith.constant 0 : i32
        %dma_start3A_85 = arith.constant 0 : i32
        %dma_start3A_86 = tpu.memref_slice %arg2[%dma_start3A_84, %dma_start3A_85] : memref<10240x128xf32, #tpu.memory_space<hbm>> -> memref<10240x128xf32, #tpu.memory_space<hbm>>
        tpu.enqueue_indirect_dma source(%dma_start3A_86 : memref<10240x128xf32, #tpu.memory_space<hbm>>) target(%arg10 : memref<88x128xf32, #tpu.memory_space<vmem>>) offsets(%dma_start3A_83 : memref<88xi32, #tpu.memory_space<vmem>>) semaphore(%arg12 : memref<!tpu.dma_semaphore, #tpu.memory_space<semaphore_mem>>)
      } else {
      }
      %add3A_54 = arith.constant 1 : i32
      %add3A_55 = arith.addi %add3A_35, %add3A_54 : i32
      %dma_wait3A_56 = arith.constant 0 : i32
      %dma_wait3A_57 = tpu.memref_slice %arg7[%add3A_55, %dma_wait3A_56] : memref<114x88xi32, #tpu.memory_space<vmem>> -> memref<1x88xi32, #tpu.memory_space<vmem>>
      %dma_wait3A_58 = tpu.memref_squeeze %dma_wait3A_57 : memref<1x88xi32, #tpu.memory_space<vmem>> -> memref<88xi32, #tpu.memory_space<vmem>>
      %dma_wait3A_59 = arith.constant 0 : i32
      %dma_wait3A_60 = arith.constant 0 : i32
      %dma_wait3A_61 = tpu.memref_slice %arg2[%dma_wait3A_59, %dma_wait3A_60] : memref<10240x128xf32, #tpu.memory_space<hbm>> -> memref<10240x128xf32, #tpu.memory_space<hbm>>
      tpu.wait_indirect_dma semaphore(%arg12 : memref<!tpu.dma_semaphore, #tpu.memory_space<semaphore_mem>>) src(%dma_wait3A_61 : memref<10240x128xf32, #tpu.memory_space<hbm>>) dst(%arg10 : memref<88x128xf32, #tpu.memory_space<vmem>>)
      %dma_start3A_62 = arith.constant 0 : i32
      %dma_start3A_63 = tpu.memref_slice %arg8[%add3A_55, %dma_start3A_62] : memref<114x88xi32, #tpu.memory_space<vmem>> -> memref<1x88xi32, #tpu.memory_space<vmem>>
      %dma_start3A_64 = tpu.memref_squeeze %dma_start3A_63 : memref<1x88xi32, #tpu.memory_space<vmem>> -> memref<88xi32, #tpu.memory_space<vmem>>
      %dma_start3A_65 = arith.constant 0 : i32
      %dma_start3A_66 = arith.constant 0 : i32
      %dma_start3A_67 = tpu.memref_slice %arg15[%dma_start3A_65, %dma_start3A_66] : memref<10240x128xf32, #tpu.memory_space<vmem_shared>> -> memref<10240x128xf32, #tpu.memory_space<vmem_shared>>
      tpu.enqueue_indirect_dma source(%arg10 : memref<88x128xf32, #tpu.memory_space<vmem>>) target(%dma_start3A_67 : memref<10240x128xf32, #tpu.memory_space<vmem_shared>>) offsets(%dma_start3A_64 : memref<88xi32, #tpu.memory_space<vmem>>) semaphore(%arg14 : memref<!tpu.dma_semaphore, #tpu.memory_space<semaphore_mem>>) {add = true}
      %add3A_68 = arith.constant 1 : i32
      %add3A_69 = arith.addi %add3A_55, %add3A_68 : i32
      %lt3A_70 = arith.constant 114 : i32
      %lt3A_71 = arith.cmpi slt, %add3A_69, %lt3A_70 : i32
      %convert_element_type3A_72 = arith.extui %lt3A_71 : i1 to i32
      %cond3A_73 = arith.constant 0 : i32
      %cond3A_74 = arith.cmpi ne, %convert_element_type3A_72, %cond3A_73 : i32
      scf.if %cond3A_74 {
        %ge3A = arith.constant 1 : i32
        %ge3A_75 = arith.cmpi sge, %add3A_55, %ge3A : i32
        %convert_element_type3A_76 = arith.extui %ge3A_75 : i1 to i32
        %cond3A_77 = arith.constant 0 : i32
        %cond3A_78 = arith.cmpi ne, %convert_element_type3A_76, %cond3A_77 : i32
        scf.if %cond3A_78 {
          %sub3A = arith.constant 1 : i32
          %sub3A_87 = arith.subi %add3A_55, %sub3A : i32
          %dma_wait3A_88 = arith.constant 0 : i32
          %dma_wait3A_89 = tpu.memref_slice %arg8[%sub3A_87, %dma_wait3A_88] : memref<114x88xi32, #tpu.memory_space<vmem>> -> memref<1x88xi32, #tpu.memory_space<vmem>>
          %dma_wait3A_90 = tpu.memref_squeeze %dma_wait3A_89 : memref<1x88xi32, #tpu.memory_space<vmem>> -> memref<88xi32, #tpu.memory_space<vmem>>
          %dma_wait3A_91 = arith.constant 0 : i32
          %dma_wait3A_92 = arith.constant 0 : i32
          %dma_wait3A_93 = tpu.memref_slice %arg15[%dma_wait3A_91, %dma_wait3A_92] : memref<10240x128xf32, #tpu.memory_space<vmem_shared>> -> memref<10240x128xf32, #tpu.memory_space<vmem_shared>>
          tpu.wait_indirect_dma semaphore(%arg13 : memref<!tpu.dma_semaphore, #tpu.memory_space<semaphore_mem>>) src(%arg9 : memref<88x128xf32, #tpu.memory_space<vmem>>) dst(%dma_wait3A_93 : memref<10240x128xf32, #tpu.memory_space<vmem_shared>>)
        } else {
        }
        %add3A_79 = arith.constant 1 : i32
        %add3A_80 = arith.addi %add3A_55, %add3A_79 : i32
        %dma_start3A_81 = arith.constant 0 : i32
        %dma_start3A_82 = tpu.memref_slice %arg7[%add3A_80, %dma_start3A_81] : memref<114x88xi32, #tpu.memory_space<vmem>> -> memref<1x88xi32, #tpu.memory_space<vmem>>
        %dma_start3A_83 = tpu.memref_squeeze %dma_start3A_82 : memref<1x88xi32, #tpu.memory_space<vmem>> -> memref<88xi32, #tpu.memory_space<vmem>>
        %dma_start3A_84 = arith.constant 0 : i32
        %dma_start3A_85 = arith.constant 0 : i32
        %dma_start3A_86 = tpu.memref_slice %arg2[%dma_start3A_84, %dma_start3A_85] : memref<10240x128xf32, #tpu.memory_space<hbm>> -> memref<10240x128xf32, #tpu.memory_space<hbm>>
        tpu.enqueue_indirect_dma source(%dma_start3A_86 : memref<10240x128xf32, #tpu.memory_space<hbm>>) target(%arg9 : memref<88x128xf32, #tpu.memory_space<vmem>>) offsets(%dma_start3A_83 : memref<88xi32, #tpu.memory_space<vmem>>) semaphore(%arg11 : memref<!tpu.dma_semaphore, #tpu.memory_space<semaphore_mem>>)
      } else {
      }
    }
    %scan3A_12 = arith.constant 57 : i32
    %dma_wait3A = arith.constant 112 : i32
    %dma_wait3A_13 = arith.constant 0 : i32
    %dma_wait3A_14 = tpu.memref_slice %arg8[%dma_wait3A, %dma_wait3A_13] : memref<114x88xi32, #tpu.memory_space<vmem>> -> memref<1x88xi32, #tpu.memory_space<vmem>>
    %dma_wait3A_15 = tpu.memref_squeeze %dma_wait3A_14 : memref<1x88xi32, #tpu.memory_space<vmem>> -> memref<88xi32, #tpu.memory_space<vmem>>
    %dma_wait3A_16 = arith.constant 0 : i32
    %dma_wait3A_17 = arith.constant 0 : i32
    %dma_wait3A_18 = tpu.memref_slice %arg15[%dma_wait3A_16, %dma_wait3A_17] : memref<10240x128xf32, #tpu.memory_space<vmem_shared>> -> memref<10240x128xf32, #tpu.memory_space<vmem_shared>>
    tpu.wait_indirect_dma semaphore(%arg13 : memref<!tpu.dma_semaphore, #tpu.memory_space<semaphore_mem>>) src(%arg9 : memref<88x128xf32, #tpu.memory_space<vmem>>) dst(%dma_wait3A_18 : memref<10240x128xf32, #tpu.memory_space<vmem_shared>>)
    %dma_wait3A_19 = arith.constant 113 : i32
    %dma_wait3A_20 = arith.constant 0 : i32
    %dma_wait3A_21 = tpu.memref_slice %arg8[%dma_wait3A_19, %dma_wait3A_20] : memref<114x88xi32, #tpu.memory_space<vmem>> -> memref<1x88xi32, #tpu.memory_space<vmem>>
    %dma_wait3A_22 = tpu.memref_squeeze %dma_wait3A_21 : memref<1x88xi32, #tpu.memory_space<vmem>> -> memref<88xi32, #tpu.memory_space<vmem>>
    %dma_wait3A_23 = arith.constant 0 : i32
    %dma_wait3A_24 = arith.constant 0 : i32
    %dma_wait3A_25 = tpu.memref_slice %arg15[%dma_wait3A_23, %dma_wait3A_24] : memref<10240x128xf32, #tpu.memory_space<vmem_shared>> -> memref<10240x128xf32, #tpu.memory_space<vmem_shared>>
    tpu.wait_indirect_dma semaphore(%arg14 : memref<!tpu.dma_semaphore, #tpu.memory_space<semaphore_mem>>) src(%arg10 : memref<88x128xf32, #tpu.memory_space<vmem>>) dst(%dma_wait3A_25 : memref<10240x128xf32, #tpu.memory_space<vmem_shared>>)
    %barrier3A_26 = arith.constant 0 : index
    tpu.barrier barrier_id(%barrier3A_26)
    %mul3A_27 = arith.constant 640 : i32
    %mul3A_28 = arith.muli %arg1, %mul3A_27 : i32
    %mul3A_29 = arith.constant 640 : i32
    %mul3A_30 = arith.muli %arg1, %mul3A_29 : i32
    "tpu.region"() ({
      %run_scoped3A = tpu.sem_alloc : memref<!tpu.dma_semaphore, #tpu.memory_space<semaphore_mem>>
      %dma_start3A_31 = arith.constant 0 : i32
      %dma_start3A_32 = tpu.memref_slice %arg6[%arg0, %mul3A_30, %dma_start3A_31] : memref<2x10240x128xf32, #tpu.memory_space<hbm>> -> memref<1x640x128xf32, #tpu.memory_space<hbm>>
      %dma_start3A_33 = tpu.memref_squeeze %dma_start3A_32 : memref<1x640x128xf32, #tpu.memory_space<hbm>> -> memref<640x128xf32, #tpu.memory_space<hbm>>
      %dma_start3A_34 = arith.constant 0 : i32
      %dma_start3A_35 = tpu.memref_slice %arg15[%mul3A_28, %dma_start3A_34] : memref<10240x128xf32, #tpu.memory_space<vmem_shared>> -> memref<640x128xf32, #tpu.memory_space<vmem_shared>>
      tpu.enqueue_dma source(%dma_start3A_35 : memref<640x128xf32, #tpu.memory_space<vmem_shared>>) target(%dma_start3A_33 : memref<640x128xf32, #tpu.memory_space<hbm>>) target_semaphore(%run_scoped3A : memref<!tpu.dma_semaphore, #tpu.memory_space<semaphore_mem>>)
      %dma_wait3A_36 = arith.constant 0 : i32
      %dma_wait3A_37 = tpu.memref_slice %arg6[%arg0, %mul3A_30, %dma_wait3A_36] : memref<2x10240x128xf32, #tpu.memory_space<hbm>> -> memref<1x640x128xf32, #tpu.memory_space<hbm>>
      %dma_wait3A_38 = tpu.memref_squeeze %dma_wait3A_37 : memref<1x640x128xf32, #tpu.memory_space<hbm>> -> memref<640x128xf32, #tpu.memory_space<hbm>>
      %dma_wait3A_39 = arith.constant 0 : i32
      %dma_wait3A_40 = tpu.memref_slice %arg15[%mul3A_28, %dma_wait3A_39] : memref<10240x128xf32, #tpu.memory_space<vmem_shared>> -> memref<640x128xf32, #tpu.memory_space<vmem_shared>>
      tpu.wait_dma2 semaphore(%run_scoped3A : memref<!tpu.dma_semaphore, #tpu.memory_space<semaphore_mem>>) src(%dma_wait3A_40 : memref<640x128xf32, #tpu.memory_space<vmem_shared>>) dst(%dma_wait3A_38 : memref<640x128xf32, #tpu.memory_space<hbm>>)
      tpu.yield
    }) : () -> ()
    return
  }
}

#map = affine_map<(d0, d1) -> (0, 0, 0)>
#map1 = affine_map<(d0, d1) -> (0, 0)>
module attributes {stable_mosaic.version = 14 : i64} {
  func.func @deg_kernel(%arg0: i32, %arg1: i32, %arg2: memref<32x114x88xi32, #tpu.memory_space<hbm>>, %arg3: memref<88x16xf32, #tpu.memory_space<hbm>>, %arg4: memref<640x16xf32, #tpu.memory_space<hbm>>, %arg5: memref<2x10240x16xf32, #tpu.memory_space<hbm>>, %arg6: memref<114x88xi32, #tpu.memory_space<vmem>>, %arg7: memref<88x16xf32, #tpu.memory_space<vmem>>, %arg8: memref<!tpu.dma_semaphore, #tpu.memory_space<semaphore_mem>>, %arg9: memref<10240x16xf32, #tpu.memory_space<vmem_shared>>) attributes {dimension_semantics = [#tpu.dimension_semantics<core_parallel>, #tpu.dimension_semantics<subcore_parallel>], iteration_bounds = array<i64: 2, 16>, scalar_prefetch = 0 : i64, scratch_operands = 4 : i64, tpu.core_type = #tpu.core_type<sc_vector_subcore>, window_params = [{transform_indices = #map}, {transform_indices = #map1}, {transform_indices = #map1}, {transform_indices = #map}]} {
    %mul3A = arith.constant 16 : i32
    %mul3A_0 = arith.muli %arg0, %mul3A : i32
    %add3A = arith.addi %mul3A_0, %arg1 : i32
    "tpu.region"() ({
      %run_scoped3A = tpu.sem_alloc : memref<!tpu.dma_semaphore, #tpu.memory_space<semaphore_mem>>
      %dma_start3A_24 = arith.constant 0 : i32
      %dma_start3A_25 = arith.constant 0 : i32
      %dma_start3A_26 = tpu.memref_slice %arg2[%add3A, %dma_start3A_24, %dma_start3A_25] : memref<32x114x88xi32, #tpu.memory_space<hbm>> -> memref<1x114x88xi32, #tpu.memory_space<hbm>>
      %dma_start3A_27 = tpu.memref_squeeze %dma_start3A_26 : memref<1x114x88xi32, #tpu.memory_space<hbm>> -> memref<114x88xi32, #tpu.memory_space<hbm>>
      %dma_start3A_28 = arith.constant 0 : i32
      %dma_start3A_29 = arith.constant 0 : i32
      %dma_start3A_30 = tpu.memref_slice %arg2[%add3A, %dma_start3A_28, %dma_start3A_29] : memref<32x114x88xi32, #tpu.memory_space<hbm>> -> memref<1x114x88xi32, #tpu.memory_space<hbm>>
      %dma_start3A_31 = tpu.memref_squeeze %dma_start3A_30 : memref<1x114x88xi32, #tpu.memory_space<hbm>> -> memref<114x88xi32, #tpu.memory_space<hbm>>
      tpu.enqueue_dma source(%dma_start3A_31 : memref<114x88xi32, #tpu.memory_space<hbm>>) target(%arg6 : memref<114x88xi32, #tpu.memory_space<vmem>>) target_semaphore(%run_scoped3A : memref<!tpu.dma_semaphore, #tpu.memory_space<semaphore_mem>>)
      %dma_wait3A_32 = arith.constant 0 : i32
      %dma_wait3A_33 = arith.constant 0 : i32
      %dma_wait3A_34 = tpu.memref_slice %arg2[%add3A, %dma_wait3A_32, %dma_wait3A_33] : memref<32x114x88xi32, #tpu.memory_space<hbm>> -> memref<1x114x88xi32, #tpu.memory_space<hbm>>
      %dma_wait3A_35 = tpu.memref_squeeze %dma_wait3A_34 : memref<1x114x88xi32, #tpu.memory_space<hbm>> -> memref<114x88xi32, #tpu.memory_space<hbm>>
      %dma_wait3A_36 = arith.constant 0 : i32
      %dma_wait3A_37 = arith.constant 0 : i32
      %dma_wait3A_38 = tpu.memref_slice %arg2[%add3A, %dma_wait3A_36, %dma_wait3A_37] : memref<32x114x88xi32, #tpu.memory_space<hbm>> -> memref<1x114x88xi32, #tpu.memory_space<hbm>>
      %dma_wait3A_39 = tpu.memref_squeeze %dma_wait3A_38 : memref<1x114x88xi32, #tpu.memory_space<hbm>> -> memref<114x88xi32, #tpu.memory_space<hbm>>
      tpu.wait_dma2 semaphore(%run_scoped3A : memref<!tpu.dma_semaphore, #tpu.memory_space<semaphore_mem>>) src(%dma_wait3A_39 : memref<114x88xi32, #tpu.memory_space<hbm>>) dst(%arg6 : memref<114x88xi32, #tpu.memory_space<vmem>>)
      tpu.yield
    }) : () -> ()
    "tpu.region"() ({
      %run_scoped3A = tpu.sem_alloc : memref<!tpu.dma_semaphore, #tpu.memory_space<semaphore_mem>>
      tpu.enqueue_dma source(%arg3 : memref<88x16xf32, #tpu.memory_space<hbm>>) target(%arg7 : memref<88x16xf32, #tpu.memory_space<vmem>>) target_semaphore(%run_scoped3A : memref<!tpu.dma_semaphore, #tpu.memory_space<semaphore_mem>>)
      tpu.wait_dma2 semaphore(%run_scoped3A : memref<!tpu.dma_semaphore, #tpu.memory_space<semaphore_mem>>) src(%arg3 : memref<88x16xf32, #tpu.memory_space<hbm>>) dst(%arg7 : memref<88x16xf32, #tpu.memory_space<vmem>>)
      tpu.yield
    }) : () -> ()
    %mul3A_1 = arith.constant 640 : i32
    %mul3A_2 = arith.muli %arg1, %mul3A_1 : i32
    "tpu.region"() ({
      %run_scoped3A = tpu.sem_alloc : memref<!tpu.dma_semaphore, #tpu.memory_space<semaphore_mem>>
      %dma_start3A_24 = arith.constant 0 : i32
      %dma_start3A_25 = tpu.memref_slice %arg9[%mul3A_2, %dma_start3A_24] : memref<10240x16xf32, #tpu.memory_space<vmem_shared>> -> memref<640x16xf32, #tpu.memory_space<vmem_shared>>
      tpu.enqueue_dma source(%arg4 : memref<640x16xf32, #tpu.memory_space<hbm>>) target(%dma_start3A_25 : memref<640x16xf32, #tpu.memory_space<vmem_shared>>) target_semaphore(%run_scoped3A : memref<!tpu.dma_semaphore, #tpu.memory_space<semaphore_mem>>)
      %dma_wait3A_26 = arith.constant 0 : i32
      %dma_wait3A_27 = tpu.memref_slice %arg9[%mul3A_2, %dma_wait3A_26] : memref<10240x16xf32, #tpu.memory_space<vmem_shared>> -> memref<640x16xf32, #tpu.memory_space<vmem_shared>>
      tpu.wait_dma2 semaphore(%run_scoped3A : memref<!tpu.dma_semaphore, #tpu.memory_space<semaphore_mem>>) src(%arg4 : memref<640x16xf32, #tpu.memory_space<hbm>>) dst(%dma_wait3A_27 : memref<640x16xf32, #tpu.memory_space<vmem_shared>>)
      tpu.yield
    }) : () -> ()
    %barrier3A = arith.constant 0 : index
    tpu.barrier barrier_id(%barrier3A)
    %dma_start3A = arith.constant 0 : i32
    %dma_start3A_3 = arith.constant 0 : i32
    %dma_start3A_4 = tpu.memref_slice %arg6[%dma_start3A, %dma_start3A_3] : memref<114x88xi32, #tpu.memory_space<vmem>> -> memref<1x88xi32, #tpu.memory_space<vmem>>
    %dma_start3A_5 = tpu.memref_squeeze %dma_start3A_4 : memref<1x88xi32, #tpu.memory_space<vmem>> -> memref<88xi32, #tpu.memory_space<vmem>>
    %dma_start3A_6 = arith.constant 0 : i32
    %dma_start3A_7 = arith.constant 0 : i32
    %dma_start3A_8 = tpu.memref_slice %arg9[%dma_start3A_6, %dma_start3A_7] : memref<10240x16xf32, #tpu.memory_space<vmem_shared>> -> memref<10240x16xf32, #tpu.memory_space<vmem_shared>>
    tpu.enqueue_indirect_dma source(%arg7 : memref<88x16xf32, #tpu.memory_space<vmem>>) target(%dma_start3A_8 : memref<10240x16xf32, #tpu.memory_space<vmem_shared>>) offsets(%dma_start3A_5 : memref<88xi32, #tpu.memory_space<vmem>>) semaphore(%arg8 : memref<!tpu.dma_semaphore, #tpu.memory_space<semaphore_mem>>) {add = true}
    %scan3A = arith.constant 0 : i32
    %scan3A_9 = arith.constant 113 : i32
    %scan3A_10 = arith.addi %scan3A, %scan3A_9 : i32
    %scan3A_11 = arith.constant 1 : i32
    scf.for %scan3A_24 = %scan3A to %scan3A_10 step %scan3A_11  : i32 {
      %mul3A_25 = arith.constant 1 : i32
      %mul3A_26 = arith.muli %scan3A_24, %mul3A_25 : i32
      %add3A_27 = arith.constant 1 : i32
      %add3A_28 = arith.addi %add3A_27, %mul3A_26 : i32
      %dma_start3A_29 = arith.constant 0 : i32
      %dma_start3A_30 = tpu.memref_slice %arg6[%add3A_28, %dma_start3A_29] : memref<114x88xi32, #tpu.memory_space<vmem>> -> memref<1x88xi32, #tpu.memory_space<vmem>>
      %dma_start3A_31 = tpu.memref_squeeze %dma_start3A_30 : memref<1x88xi32, #tpu.memory_space<vmem>> -> memref<88xi32, #tpu.memory_space<vmem>>
      %dma_start3A_32 = arith.constant 0 : i32
      %dma_start3A_33 = arith.constant 0 : i32
      %dma_start3A_34 = tpu.memref_slice %arg9[%dma_start3A_32, %dma_start3A_33] : memref<10240x16xf32, #tpu.memory_space<vmem_shared>> -> memref<10240x16xf32, #tpu.memory_space<vmem_shared>>
      tpu.enqueue_indirect_dma source(%arg7 : memref<88x16xf32, #tpu.memory_space<vmem>>) target(%dma_start3A_34 : memref<10240x16xf32, #tpu.memory_space<vmem_shared>>) offsets(%dma_start3A_31 : memref<88xi32, #tpu.memory_space<vmem>>) semaphore(%arg8 : memref<!tpu.dma_semaphore, #tpu.memory_space<semaphore_mem>>) {add = true}
      %dma_wait3A_35 = arith.constant 0 : i32
      %dma_wait3A_36 = arith.constant 0 : i32
      %dma_wait3A_37 = tpu.memref_slice %arg6[%dma_wait3A_35, %dma_wait3A_36] : memref<114x88xi32, #tpu.memory_space<vmem>> -> memref<1x88xi32, #tpu.memory_space<vmem>>
      %dma_wait3A_38 = tpu.memref_squeeze %dma_wait3A_37 : memref<1x88xi32, #tpu.memory_space<vmem>> -> memref<88xi32, #tpu.memory_space<vmem>>
      %dma_wait3A_39 = arith.constant 0 : i32
      %dma_wait3A_40 = arith.constant 0 : i32
      %dma_wait3A_41 = tpu.memref_slice %arg9[%dma_wait3A_39, %dma_wait3A_40] : memref<10240x16xf32, #tpu.memory_space<vmem_shared>> -> memref<10240x16xf32, #tpu.memory_space<vmem_shared>>
      tpu.wait_indirect_dma semaphore(%arg8 : memref<!tpu.dma_semaphore, #tpu.memory_space<semaphore_mem>>) src(%arg7 : memref<88x16xf32, #tpu.memory_space<vmem>>) dst(%dma_wait3A_41 : memref<10240x16xf32, #tpu.memory_space<vmem_shared>>)
    }
    %scan3A_12 = arith.constant 113 : i32
    %dma_wait3A = arith.constant 0 : i32
    %dma_wait3A_13 = arith.constant 0 : i32
    %dma_wait3A_14 = tpu.memref_slice %arg6[%dma_wait3A, %dma_wait3A_13] : memref<114x88xi32, #tpu.memory_space<vmem>> -> memref<1x88xi32, #tpu.memory_space<vmem>>
    %dma_wait3A_15 = tpu.memref_squeeze %dma_wait3A_14 : memref<1x88xi32, #tpu.memory_space<vmem>> -> memref<88xi32, #tpu.memory_space<vmem>>
    %dma_wait3A_16 = arith.constant 0 : i32
    %dma_wait3A_17 = arith.constant 0 : i32
    %dma_wait3A_18 = tpu.memref_slice %arg9[%dma_wait3A_16, %dma_wait3A_17] : memref<10240x16xf32, #tpu.memory_space<vmem_shared>> -> memref<10240x16xf32, #tpu.memory_space<vmem_shared>>
    tpu.wait_indirect_dma semaphore(%arg8 : memref<!tpu.dma_semaphore, #tpu.memory_space<semaphore_mem>>) src(%arg7 : memref<88x16xf32, #tpu.memory_space<vmem>>) dst(%dma_wait3A_18 : memref<10240x16xf32, #tpu.memory_space<vmem_shared>>)
    %barrier3A_19 = arith.constant 0 : index
    tpu.barrier barrier_id(%barrier3A_19)
    %mul3A_20 = arith.constant 640 : i32
    %mul3A_21 = arith.muli %arg1, %mul3A_20 : i32
    %mul3A_22 = arith.constant 640 : i32
    %mul3A_23 = arith.muli %arg1, %mul3A_22 : i32
    "tpu.region"() ({
      %run_scoped3A = tpu.sem_alloc : memref<!tpu.dma_semaphore, #tpu.memory_space<semaphore_mem>>
      %dma_start3A_24 = arith.constant 0 : i32
      %dma_start3A_25 = tpu.memref_slice %arg5[%arg0, %mul3A_23, %dma_start3A_24] : memref<2x10240x16xf32, #tpu.memory_space<hbm>> -> memref<1x640x16xf32, #tpu.memory_space<hbm>>
      %dma_start3A_26 = tpu.memref_squeeze %dma_start3A_25 : memref<1x640x16xf32, #tpu.memory_space<hbm>> -> memref<640x16xf32, #tpu.memory_space<hbm>>
      %dma_start3A_27 = arith.constant 0 : i32
      %dma_start3A_28 = tpu.memref_slice %arg9[%mul3A_21, %dma_start3A_27] : memref<10240x16xf32, #tpu.memory_space<vmem_shared>> -> memref<640x16xf32, #tpu.memory_space<vmem_shared>>
      tpu.enqueue_dma source(%dma_start3A_28 : memref<640x16xf32, #tpu.memory_space<vmem_shared>>) target(%dma_start3A_26 : memref<640x16xf32, #tpu.memory_space<hbm>>) target_semaphore(%run_scoped3A : memref<!tpu.dma_semaphore, #tpu.memory_space<semaphore_mem>>)
      %dma_wait3A_29 = arith.constant 0 : i32
      %dma_wait3A_30 = tpu.memref_slice %arg5[%arg0, %mul3A_23, %dma_wait3A_29] : memref<2x10240x16xf32, #tpu.memory_space<hbm>> -> memref<1x640x16xf32, #tpu.memory_space<hbm>>
      %dma_wait3A_31 = tpu.memref_squeeze %dma_wait3A_30 : memref<1x640x16xf32, #tpu.memory_space<hbm>> -> memref<640x16xf32, #tpu.memory_space<hbm>>
      %dma_wait3A_32 = arith.constant 0 : i32
      %dma_wait3A_33 = tpu.memref_slice %arg9[%mul3A_21, %dma_wait3A_32] : memref<10240x16xf32, #tpu.memory_space<vmem_shared>> -> memref<640x16xf32, #tpu.memory_space<vmem_shared>>
      tpu.wait_dma2 semaphore(%run_scoped3A : memref<!tpu.dma_semaphore, #tpu.memory_space<semaphore_mem>>) src(%dma_wait3A_33 : memref<640x16xf32, #tpu.memory_space<vmem_shared>>) dst(%dma_wait3A_31 : memref<640x16xf32, #tpu.memory_space<hbm>>)
      tpu.yield
    }) : () -> ()
    return
  }
}

#map = affine_map<(d0, d1) -> (0, 0)>
#map1 = affine_map<(d0, d1) -> (0, 0, 0)>
module attributes {stable_mosaic.version = 14 : i64} {
  func.func @prop_kernel(%arg0: i32, %arg1: i32, %arg2: memref<10240x128xf32, #tpu.memory_space<hbm>>, %arg3: memref<32x114x88xi32, #tpu.memory_space<hbm>>, %arg4: memref<32x114x88xi32, #tpu.memory_space<hbm>>, %arg5: memref<640x128xf32, #tpu.memory_space<hbm>>, %arg6: memref<2x10240x128xf32, #tpu.memory_space<hbm>>, %arg7: memref<114x88xi32, #tpu.memory_space<vmem>>, %arg8: memref<114x88xi32, #tpu.memory_space<vmem>>, %arg9: memref<88x128xf32, #tpu.memory_space<vmem>>, %arg10: memref<88x128xf32, #tpu.memory_space<vmem>>, %arg11: memref<!tpu.dma_semaphore, #tpu.memory_space<semaphore_mem>>, %arg12: memref<!tpu.dma_semaphore, #tpu.memory_space<semaphore_mem>>, %arg13: memref<!tpu.dma_semaphore, #tpu.memory_space<semaphore_mem>>, %arg14: memref<!tpu.dma_semaphore, #tpu.memory_space<semaphore_mem>>, %arg15: memref<10240x128xf32, #tpu.memory_space<vmem_shared>>) attributes {dimension_semantics = [#tpu.dimension_semantics<core_parallel>, #tpu.dimension_semantics<subcore_parallel>], iteration_bounds = array<i64: 2, 16>, scalar_prefetch = 0 : i64, scratch_operands = 9 : i64, tpu.core_type = #tpu.core_type<sc_vector_subcore>, window_params = [{transform_indices = #map}, {transform_indices = #map1}, {transform_indices = #map1}, {transform_indices = #map}, {transform_indices = #map1}]} {
    %mul3A = arith.constant 16 : i32
    %mul3A_0 = arith.muli %arg0, %mul3A : i32
    %add3A = arith.addi %mul3A_0, %arg1 : i32
    "tpu.region"() ({
      %run_scoped3A = tpu.sem_alloc : memref<!tpu.dma_semaphore, #tpu.memory_space<semaphore_mem>>
      %dma_start3A_31 = arith.constant 0 : i32
      %dma_start3A_32 = arith.constant 0 : i32
      %dma_start3A_33 = tpu.memref_slice %arg3[%add3A, %dma_start3A_31, %dma_start3A_32] : memref<32x114x88xi32, #tpu.memory_space<hbm>> -> memref<1x114x88xi32, #tpu.memory_space<hbm>>
      %dma_start3A_34 = tpu.memref_squeeze %dma_start3A_33 : memref<1x114x88xi32, #tpu.memory_space<hbm>> -> memref<114x88xi32, #tpu.memory_space<hbm>>
      %dma_start3A_35 = arith.constant 0 : i32
      %dma_start3A_36 = arith.constant 0 : i32
      %dma_start3A_37 = tpu.memref_slice %arg3[%add3A, %dma_start3A_35, %dma_start3A_36] : memref<32x114x88xi32, #tpu.memory_space<hbm>> -> memref<1x114x88xi32, #tpu.memory_space<hbm>>
      %dma_start3A_38 = tpu.memref_squeeze %dma_start3A_37 : memref<1x114x88xi32, #tpu.memory_space<hbm>> -> memref<114x88xi32, #tpu.memory_space<hbm>>
      tpu.enqueue_dma source(%dma_start3A_38 : memref<114x88xi32, #tpu.memory_space<hbm>>) target(%arg7 : memref<114x88xi32, #tpu.memory_space<vmem>>) target_semaphore(%run_scoped3A : memref<!tpu.dma_semaphore, #tpu.memory_space<semaphore_mem>>)
      %dma_wait3A_39 = arith.constant 0 : i32
      %dma_wait3A_40 = arith.constant 0 : i32
      %dma_wait3A_41 = tpu.memref_slice %arg3[%add3A, %dma_wait3A_39, %dma_wait3A_40] : memref<32x114x88xi32, #tpu.memory_space<hbm>> -> memref<1x114x88xi32, #tpu.memory_space<hbm>>
      %dma_wait3A_42 = tpu.memref_squeeze %dma_wait3A_41 : memref<1x114x88xi32, #tpu.memory_space<hbm>> -> memref<114x88xi32, #tpu.memory_space<hbm>>
      %dma_wait3A_43 = arith.constant 0 : i32
      %dma_wait3A_44 = arith.constant 0 : i32
      %dma_wait3A_45 = tpu.memref_slice %arg3[%add3A, %dma_wait3A_43, %dma_wait3A_44] : memref<32x114x88xi32, #tpu.memory_space<hbm>> -> memref<1x114x88xi32, #tpu.memory_space<hbm>>
      %dma_wait3A_46 = tpu.memref_squeeze %dma_wait3A_45 : memref<1x114x88xi32, #tpu.memory_space<hbm>> -> memref<114x88xi32, #tpu.memory_space<hbm>>
      tpu.wait_dma2 semaphore(%run_scoped3A : memref<!tpu.dma_semaphore, #tpu.memory_space<semaphore_mem>>) src(%dma_wait3A_46 : memref<114x88xi32, #tpu.memory_space<hbm>>) dst(%arg7 : memref<114x88xi32, #tpu.memory_space<vmem>>)
      tpu.yield
    }) : () -> ()
    "tpu.region"() ({
      %run_scoped3A = tpu.sem_alloc : memref<!tpu.dma_semaphore, #tpu.memory_space<semaphore_mem>>
      %dma_start3A_31 = arith.constant 0 : i32
      %dma_start3A_32 = arith.constant 0 : i32
      %dma_start3A_33 = tpu.memref_slice %arg4[%add3A, %dma_start3A_31, %dma_start3A_32] : memref<32x114x88xi32, #tpu.memory_space<hbm>> -> memref<1x114x88xi32, #tpu.memory_space<hbm>>
      %dma_start3A_34 = tpu.memref_squeeze %dma_start3A_33 : memref<1x114x88xi32, #tpu.memory_space<hbm>> -> memref<114x88xi32, #tpu.memory_space<hbm>>
      %dma_start3A_35 = arith.constant 0 : i32
      %dma_start3A_36 = arith.constant 0 : i32
      %dma_start3A_37 = tpu.memref_slice %arg4[%add3A, %dma_start3A_35, %dma_start3A_36] : memref<32x114x88xi32, #tpu.memory_space<hbm>> -> memref<1x114x88xi32, #tpu.memory_space<hbm>>
      %dma_start3A_38 = tpu.memref_squeeze %dma_start3A_37 : memref<1x114x88xi32, #tpu.memory_space<hbm>> -> memref<114x88xi32, #tpu.memory_space<hbm>>
      tpu.enqueue_dma source(%dma_start3A_38 : memref<114x88xi32, #tpu.memory_space<hbm>>) target(%arg8 : memref<114x88xi32, #tpu.memory_space<vmem>>) target_semaphore(%run_scoped3A : memref<!tpu.dma_semaphore, #tpu.memory_space<semaphore_mem>>)
      %dma_wait3A_39 = arith.constant 0 : i32
      %dma_wait3A_40 = arith.constant 0 : i32
      %dma_wait3A_41 = tpu.memref_slice %arg4[%add3A, %dma_wait3A_39, %dma_wait3A_40] : memref<32x114x88xi32, #tpu.memory_space<hbm>> -> memref<1x114x88xi32, #tpu.memory_space<hbm>>
      %dma_wait3A_42 = tpu.memref_squeeze %dma_wait3A_41 : memref<1x114x88xi32, #tpu.memory_space<hbm>> -> memref<114x88xi32, #tpu.memory_space<hbm>>
      %dma_wait3A_43 = arith.constant 0 : i32
      %dma_wait3A_44 = arith.constant 0 : i32
      %dma_wait3A_45 = tpu.memref_slice %arg4[%add3A, %dma_wait3A_43, %dma_wait3A_44] : memref<32x114x88xi32, #tpu.memory_space<hbm>> -> memref<1x114x88xi32, #tpu.memory_space<hbm>>
      %dma_wait3A_46 = tpu.memref_squeeze %dma_wait3A_45 : memref<1x114x88xi32, #tpu.memory_space<hbm>> -> memref<114x88xi32, #tpu.memory_space<hbm>>
      tpu.wait_dma2 semaphore(%run_scoped3A : memref<!tpu.dma_semaphore, #tpu.memory_space<semaphore_mem>>) src(%dma_wait3A_46 : memref<114x88xi32, #tpu.memory_space<hbm>>) dst(%arg8 : memref<114x88xi32, #tpu.memory_space<vmem>>)
      tpu.yield
    }) : () -> ()
    %mul3A_1 = arith.constant 640 : i32
    %mul3A_2 = arith.muli %arg1, %mul3A_1 : i32
    "tpu.region"() ({
      %run_scoped3A = tpu.sem_alloc : memref<!tpu.dma_semaphore, #tpu.memory_space<semaphore_mem>>
      %dma_start3A_31 = arith.constant 0 : i32
      %dma_start3A_32 = tpu.memref_slice %arg15[%mul3A_2, %dma_start3A_31] : memref<10240x128xf32, #tpu.memory_space<vmem_shared>> -> memref<640x128xf32, #tpu.memory_space<vmem_shared>>
      tpu.enqueue_dma source(%arg5 : memref<640x128xf32, #tpu.memory_space<hbm>>) target(%dma_start3A_32 : memref<640x128xf32, #tpu.memory_space<vmem_shared>>) target_semaphore(%run_scoped3A : memref<!tpu.dma_semaphore, #tpu.memory_space<semaphore_mem>>)
      %dma_wait3A_33 = arith.constant 0 : i32
      %dma_wait3A_34 = tpu.memref_slice %arg15[%mul3A_2, %dma_wait3A_33] : memref<10240x128xf32, #tpu.memory_space<vmem_shared>> -> memref<640x128xf32, #tpu.memory_space<vmem_shared>>
      tpu.wait_dma2 semaphore(%run_scoped3A : memref<!tpu.dma_semaphore, #tpu.memory_space<semaphore_mem>>) src(%arg5 : memref<640x128xf32, #tpu.memory_space<hbm>>) dst(%dma_wait3A_34 : memref<640x128xf32, #tpu.memory_space<vmem_shared>>)
      tpu.yield
    }) : () -> ()
    %barrier3A = arith.constant 0 : index
    tpu.barrier barrier_id(%barrier3A)
    %dma_start3A = arith.constant 0 : i32
    %dma_start3A_3 = arith.constant 0 : i32
    %dma_start3A_4 = tpu.memref_slice %arg7[%dma_start3A, %dma_start3A_3] : memref<114x88xi32, #tpu.memory_space<vmem>> -> memref<1x88xi32, #tpu.memory_space<vmem>>
    %dma_start3A_5 = tpu.memref_squeeze %dma_start3A_4 : memref<1x88xi32, #tpu.memory_space<vmem>> -> memref<88xi32, #tpu.memory_space<vmem>>
    %dma_start3A_6 = arith.constant 0 : i32
    %dma_start3A_7 = arith.constant 0 : i32
    %dma_start3A_8 = tpu.memref_slice %arg2[%dma_start3A_6, %dma_start3A_7] : memref<10240x128xf32, #tpu.memory_space<hbm>> -> memref<10240x128xf32, #tpu.memory_space<hbm>>
    tpu.enqueue_indirect_dma source(%dma_start3A_8 : memref<10240x128xf32, #tpu.memory_space<hbm>>) target(%arg9 : memref<88x128xf32, #tpu.memory_space<vmem>>) offsets(%dma_start3A_5 : memref<88xi32, #tpu.memory_space<vmem>>) semaphore(%arg11 : memref<!tpu.dma_semaphore, #tpu.memory_space<semaphore_mem>>)
    %scan3A = arith.constant 0 : i32
    %scan3A_9 = arith.constant 57 : i32
    %scan3A_10 = arith.addi %scan3A, %scan3A_9 : i32
    %scan3A_11 = arith.constant 1 : i32
    scf.for %scan3A_31 = %scan3A to %scan3A_10 step %scan3A_11  : i32 {
      %mul3A_32 = arith.constant 2 : i32
      %mul3A_33 = arith.muli %scan3A_31, %mul3A_32 : i32
      %add3A_34 = arith.constant 0 : i32
      %add3A_35 = arith.addi %add3A_34, %mul3A_33 : i32
      %add3A_36 = arith.constant 0 : i32
      %add3A_37 = arith.addi %add3A_35, %add3A_36 : i32
      %dma_wait3A_38 = arith.constant 0 : i32
      %dma_wait3A_39 = tpu.memref_slice %arg7[%add3A_37, %dma_wait3A_38] : memref<114x88xi32, #tpu.memory_space<vmem>> -> memref<1x88xi32, #tpu.memory_space<vmem>>
      %dma_wait3A_40 = tpu.memref_squeeze %dma_wait3A_39 : memref<1x88xi32, #tpu.memory_space<vmem>> -> memref<88xi32, #tpu.memory_space<vmem>>
      %dma_wait3A_41 = arith.constant 0 : i32
      %dma_wait3A_42 = arith.constant 0 : i32
      %dma_wait3A_43 = tpu.memref_slice %arg2[%dma_wait3A_41, %dma_wait3A_42] : memref<10240x128xf32, #tpu.memory_space<hbm>> -> memref<10240x128xf32, #tpu.memory_space<hbm>>
      tpu.wait_indirect_dma semaphore(%arg11 : memref<!tpu.dma_semaphore, #tpu.memory_space<semaphore_mem>>) src(%dma_wait3A_43 : memref<10240x128xf32, #tpu.memory_space<hbm>>) dst(%arg9 : memref<88x128xf32, #tpu.memory_space<vmem>>)
      %dma_start3A_44 = arith.constant 0 : i32
      %dma_start3A_45 = tpu.memref_slice %arg8[%add3A_37, %dma_start3A_44] : memref<114x88xi32, #tpu.memory_space<vmem>> -> memref<1x88xi32, #tpu.memory_space<vmem>>
      %dma_start3A_46 = tpu.memref_squeeze %dma_start3A_45 : memref<1x88xi32, #tpu.memory_space<vmem>> -> memref<88xi32, #tpu.memory_space<vmem>>
      %dma_start3A_47 = arith.constant 0 : i32
      %dma_start3A_48 = arith.constant 0 : i32
      %dma_start3A_49 = tpu.memref_slice %arg15[%dma_start3A_47, %dma_start3A_48] : memref<10240x128xf32, #tpu.memory_space<vmem_shared>> -> memref<10240x128xf32, #tpu.memory_space<vmem_shared>>
      tpu.enqueue_indirect_dma source(%arg9 : memref<88x128xf32, #tpu.memory_space<vmem>>) target(%dma_start3A_49 : memref<10240x128xf32, #tpu.memory_space<vmem_shared>>) offsets(%dma_start3A_46 : memref<88xi32, #tpu.memory_space<vmem>>) semaphore(%arg13 : memref<!tpu.dma_semaphore, #tpu.memory_space<semaphore_mem>>) {add = true}
      %add3A_50 = arith.constant 1 : i32
      %add3A_51 = arith.addi %add3A_37, %add3A_50 : i32
      %lt3A = arith.constant 114 : i32
      %lt3A_52 = arith.cmpi slt, %add3A_51, %lt3A : i32
      %convert_element_type3A = arith.extui %lt3A_52 : i1 to i32
      %cond3A = arith.constant 0 : i32
      %cond3A_53 = arith.cmpi ne, %convert_element_type3A, %cond3A : i32
      scf.if %cond3A_53 {
        %ge3A = arith.constant 1 : i32
        %ge3A_75 = arith.cmpi sge, %add3A_37, %ge3A : i32
        %convert_element_type3A_76 = arith.extui %ge3A_75 : i1 to i32
        %cond3A_77 = arith.constant 0 : i32
        %cond3A_78 = arith.cmpi ne, %convert_element_type3A_76, %cond3A_77 : i32
        scf.if %cond3A_78 {
          %sub3A = arith.constant 1 : i32
          %sub3A_87 = arith.subi %add3A_37, %sub3A : i32
          %dma_wait3A_88 = arith.constant 0 : i32
          %dma_wait3A_89 = tpu.memref_slice %arg8[%sub3A_87, %dma_wait3A_88] : memref<114x88xi32, #tpu.memory_space<vmem>> -> memref<1x88xi32, #tpu.memory_space<vmem>>
          %dma_wait3A_90 = tpu.memref_squeeze %dma_wait3A_89 : memref<1x88xi32, #tpu.memory_space<vmem>> -> memref<88xi32, #tpu.memory_space<vmem>>
          %dma_wait3A_91 = arith.constant 0 : i32
          %dma_wait3A_92 = arith.constant 0 : i32
          %dma_wait3A_93 = tpu.memref_slice %arg15[%dma_wait3A_91, %dma_wait3A_92] : memref<10240x128xf32, #tpu.memory_space<vmem_shared>> -> memref<10240x128xf32, #tpu.memory_space<vmem_shared>>
          tpu.wait_indirect_dma semaphore(%arg14 : memref<!tpu.dma_semaphore, #tpu.memory_space<semaphore_mem>>) src(%arg10 : memref<88x128xf32, #tpu.memory_space<vmem>>) dst(%dma_wait3A_93 : memref<10240x128xf32, #tpu.memory_space<vmem_shared>>)
        } else {
        }
        %add3A_79 = arith.constant 1 : i32
        %add3A_80 = arith.addi %add3A_37, %add3A_79 : i32
        %dma_start3A_81 = arith.constant 0 : i32
        %dma_start3A_82 = tpu.memref_slice %arg7[%add3A_80, %dma_start3A_81] : memref<114x88xi32, #tpu.memory_space<vmem>> -> memref<1x88xi32, #tpu.memory_space<vmem>>
        %dma_start3A_83 = tpu.memref_squeeze %dma_start3A_82 : memref<1x88xi32, #tpu.memory_space<vmem>> -> memref<88xi32, #tpu.memory_space<vmem>>
        %dma_start3A_84 = arith.constant 0 : i32
        %dma_start3A_85 = arith.constant 0 : i32
        %dma_start3A_86 = tpu.memref_slice %arg2[%dma_start3A_84, %dma_start3A_85] : memref<10240x128xf32, #tpu.memory_space<hbm>> -> memref<10240x128xf32, #tpu.memory_space<hbm>>
        tpu.enqueue_indirect_dma source(%dma_start3A_86 : memref<10240x128xf32, #tpu.memory_space<hbm>>) target(%arg10 : memref<88x128xf32, #tpu.memory_space<vmem>>) offsets(%dma_start3A_83 : memref<88xi32, #tpu.memory_space<vmem>>) semaphore(%arg12 : memref<!tpu.dma_semaphore, #tpu.memory_space<semaphore_mem>>)
      } else {
      }
      %add3A_54 = arith.constant 1 : i32
      %add3A_55 = arith.addi %add3A_35, %add3A_54 : i32
      %dma_wait3A_56 = arith.constant 0 : i32
      %dma_wait3A_57 = tpu.memref_slice %arg7[%add3A_55, %dma_wait3A_56] : memref<114x88xi32, #tpu.memory_space<vmem>> -> memref<1x88xi32, #tpu.memory_space<vmem>>
      %dma_wait3A_58 = tpu.memref_squeeze %dma_wait3A_57 : memref<1x88xi32, #tpu.memory_space<vmem>> -> memref<88xi32, #tpu.memory_space<vmem>>
      %dma_wait3A_59 = arith.constant 0 : i32
      %dma_wait3A_60 = arith.constant 0 : i32
      %dma_wait3A_61 = tpu.memref_slice %arg2[%dma_wait3A_59, %dma_wait3A_60] : memref<10240x128xf32, #tpu.memory_space<hbm>> -> memref<10240x128xf32, #tpu.memory_space<hbm>>
      tpu.wait_indirect_dma semaphore(%arg12 : memref<!tpu.dma_semaphore, #tpu.memory_space<semaphore_mem>>) src(%dma_wait3A_61 : memref<10240x128xf32, #tpu.memory_space<hbm>>) dst(%arg10 : memref<88x128xf32, #tpu.memory_space<vmem>>)
      %dma_start3A_62 = arith.constant 0 : i32
      %dma_start3A_63 = tpu.memref_slice %arg8[%add3A_55, %dma_start3A_62] : memref<114x88xi32, #tpu.memory_space<vmem>> -> memref<1x88xi32, #tpu.memory_space<vmem>>
      %dma_start3A_64 = tpu.memref_squeeze %dma_start3A_63 : memref<1x88xi32, #tpu.memory_space<vmem>> -> memref<88xi32, #tpu.memory_space<vmem>>
      %dma_start3A_65 = arith.constant 0 : i32
      %dma_start3A_66 = arith.constant 0 : i32
      %dma_start3A_67 = tpu.memref_slice %arg15[%dma_start3A_65, %dma_start3A_66] : memref<10240x128xf32, #tpu.memory_space<vmem_shared>> -> memref<10240x128xf32, #tpu.memory_space<vmem_shared>>
      tpu.enqueue_indirect_dma source(%arg10 : memref<88x128xf32, #tpu.memory_space<vmem>>) target(%dma_start3A_67 : memref<10240x128xf32, #tpu.memory_space<vmem_shared>>) offsets(%dma_start3A_64 : memref<88xi32, #tpu.memory_space<vmem>>) semaphore(%arg14 : memref<!tpu.dma_semaphore, #tpu.memory_space<semaphore_mem>>) {add = true}
      %add3A_68 = arith.constant 1 : i32
      %add3A_69 = arith.addi %add3A_55, %add3A_68 : i32
      %lt3A_70 = arith.constant 114 : i32
      %lt3A_71 = arith.cmpi slt, %add3A_69, %lt3A_70 : i32
      %convert_element_type3A_72 = arith.extui %lt3A_71 : i1 to i32
      %cond3A_73 = arith.constant 0 : i32
      %cond3A_74 = arith.cmpi ne, %convert_element_type3A_72, %cond3A_73 : i32
      scf.if %cond3A_74 {
        %ge3A = arith.constant 1 : i32
        %ge3A_75 = arith.cmpi sge, %add3A_55, %ge3A : i32
        %convert_element_type3A_76 = arith.extui %ge3A_75 : i1 to i32
        %cond3A_77 = arith.constant 0 : i32
        %cond3A_78 = arith.cmpi ne, %convert_element_type3A_76, %cond3A_77 : i32
        scf.if %cond3A_78 {
          %sub3A = arith.constant 1 : i32
          %sub3A_87 = arith.subi %add3A_55, %sub3A : i32
          %dma_wait3A_88 = arith.constant 0 : i32
          %dma_wait3A_89 = tpu.memref_slice %arg8[%sub3A_87, %dma_wait3A_88] : memref<114x88xi32, #tpu.memory_space<vmem>> -> memref<1x88xi32, #tpu.memory_space<vmem>>
          %dma_wait3A_90 = tpu.memref_squeeze %dma_wait3A_89 : memref<1x88xi32, #tpu.memory_space<vmem>> -> memref<88xi32, #tpu.memory_space<vmem>>
          %dma_wait3A_91 = arith.constant 0 : i32
          %dma_wait3A_92 = arith.constant 0 : i32
          %dma_wait3A_93 = tpu.memref_slice %arg15[%dma_wait3A_91, %dma_wait3A_92] : memref<10240x128xf32, #tpu.memory_space<vmem_shared>> -> memref<10240x128xf32, #tpu.memory_space<vmem_shared>>
          tpu.wait_indirect_dma semaphore(%arg13 : memref<!tpu.dma_semaphore, #tpu.memory_space<semaphore_mem>>) src(%arg9 : memref<88x128xf32, #tpu.memory_space<vmem>>) dst(%dma_wait3A_93 : memref<10240x128xf32, #tpu.memory_space<vmem_shared>>)
        } else {
        }
        %add3A_79 = arith.constant 1 : i32
        %add3A_80 = arith.addi %add3A_55, %add3A_79 : i32
        %dma_start3A_81 = arith.constant 0 : i32
        %dma_start3A_82 = tpu.memref_slice %arg7[%add3A_80, %dma_start3A_81] : memref<114x88xi32, #tpu.memory_space<vmem>> -> memref<1x88xi32, #tpu.memory_space<vmem>>
        %dma_start3A_83 = tpu.memref_squeeze %dma_start3A_82 : memref<1x88xi32, #tpu.memory_space<vmem>> -> memref<88xi32, #tpu.memory_space<vmem>>
        %dma_start3A_84 = arith.constant 0 : i32
        %dma_start3A_85 = arith.constant 0 : i32
        %dma_start3A_86 = tpu.memref_slice %arg2[%dma_start3A_84, %dma_start3A_85] : memref<10240x128xf32, #tpu.memory_space<hbm>> -> memref<10240x128xf32, #tpu.memory_space<hbm>>
        tpu.enqueue_indirect_dma source(%dma_start3A_86 : memref<10240x128xf32, #tpu.memory_space<hbm>>) target(%arg9 : memref<88x128xf32, #tpu.memory_space<vmem>>) offsets(%dma_start3A_83 : memref<88xi32, #tpu.memory_space<vmem>>) semaphore(%arg11 : memref<!tpu.dma_semaphore, #tpu.memory_space<semaphore_mem>>)
      } else {
      }
    }
    %scan3A_12 = arith.constant 57 : i32
    %dma_wait3A = arith.constant 112 : i32
    %dma_wait3A_13 = arith.constant 0 : i32
    %dma_wait3A_14 = tpu.memref_slice %arg8[%dma_wait3A, %dma_wait3A_13] : memref<114x88xi32, #tpu.memory_space<vmem>> -> memref<1x88xi32, #tpu.memory_space<vmem>>
    %dma_wait3A_15 = tpu.memref_squeeze %dma_wait3A_14 : memref<1x88xi32, #tpu.memory_space<vmem>> -> memref<88xi32, #tpu.memory_space<vmem>>
    %dma_wait3A_16 = arith.constant 0 : i32
    %dma_wait3A_17 = arith.constant 0 : i32
    %dma_wait3A_18 = tpu.memref_slice %arg15[%dma_wait3A_16, %dma_wait3A_17] : memref<10240x128xf32, #tpu.memory_space<vmem_shared>> -> memref<10240x128xf32, #tpu.memory_space<vmem_shared>>
    tpu.wait_indirect_dma semaphore(%arg13 : memref<!tpu.dma_semaphore, #tpu.memory_space<semaphore_mem>>) src(%arg9 : memref<88x128xf32, #tpu.memory_space<vmem>>) dst(%dma_wait3A_18 : memref<10240x128xf32, #tpu.memory_space<vmem_shared>>)
    %dma_wait3A_19 = arith.constant 113 : i32
    %dma_wait3A_20 = arith.constant 0 : i32
    %dma_wait3A_21 = tpu.memref_slice %arg8[%dma_wait3A_19, %dma_wait3A_20] : memref<114x88xi32, #tpu.memory_space<vmem>> -> memref<1x88xi32, #tpu.memory_space<vmem>>
    %dma_wait3A_22 = tpu.memref_squeeze %dma_wait3A_21 : memref<1x88xi32, #tpu.memory_space<vmem>> -> memref<88xi32, #tpu.memory_space<vmem>>
    %dma_wait3A_23 = arith.constant 0 : i32
    %dma_wait3A_24 = arith.constant 0 : i32
    %dma_wait3A_25 = tpu.memref_slice %arg15[%dma_wait3A_23, %dma_wait3A_24] : memref<10240x128xf32, #tpu.memory_space<vmem_shared>> -> memref<10240x128xf32, #tpu.memory_space<vmem_shared>>
    tpu.wait_indirect_dma semaphore(%arg14 : memref<!tpu.dma_semaphore, #tpu.memory_space<semaphore_mem>>) src(%arg10 : memref<88x128xf32, #tpu.memory_space<vmem>>) dst(%dma_wait3A_25 : memref<10240x128xf32, #tpu.memory_space<vmem_shared>>)
    %barrier3A_26 = arith.constant 0 : index
    tpu.barrier barrier_id(%barrier3A_26)
    %mul3A_27 = arith.constant 640 : i32
    %mul3A_28 = arith.muli %arg1, %mul3A_27 : i32
    %mul3A_29 = arith.constant 640 : i32
    %mul3A_30 = arith.muli %arg1, %mul3A_29 : i32
    "tpu.region"() ({
      %run_scoped3A = tpu.sem_alloc : memref<!tpu.dma_semaphore, #tpu.memory_space<semaphore_mem>>
      %dma_start3A_31 = arith.constant 0 : i32
      %dma_start3A_32 = tpu.memref_slice %arg6[%arg0, %mul3A_30, %dma_start3A_31] : memref<2x10240x128xf32, #tpu.memory_space<hbm>> -> memref<1x640x128xf32, #tpu.memory_space<hbm>>
      %dma_start3A_33 = tpu.memref_squeeze %dma_start3A_32 : memref<1x640x128xf32, #tpu.memory_space<hbm>> -> memref<640x128xf32, #tpu.memory_space<hbm>>
      %dma_start3A_34 = arith.constant 0 : i32
      %dma_start3A_35 = tpu.memref_slice %arg15[%mul3A_28, %dma_start3A_34] : memref<10240x128xf32, #tpu.memory_space<vmem_shared>> -> memref<640x128xf32, #tpu.memory_space<vmem_shared>>
      tpu.enqueue_dma source(%dma_start3A_35 : memref<640x128xf32, #tpu.memory_space<vmem_shared>>) target(%dma_start3A_33 : memref<640x128xf32, #tpu.memory_space<hbm>>) target_semaphore(%run_scoped3A : memref<!tpu.dma_semaphore, #tpu.memory_space<semaphore_mem>>)
      %dma_wait3A_36 = arith.constant 0 : i32
      %dma_wait3A_37 = tpu.memref_slice %arg6[%arg0, %mul3A_30, %dma_wait3A_36] : memref<2x10240x128xf32, #tpu.memory_space<hbm>> -> memref<1x640x128xf32, #tpu.memory_space<hbm>>
      %dma_wait3A_38 = tpu.memref_squeeze %dma_wait3A_37 : memref<1x640x128xf32, #tpu.memory_space<hbm>> -> memref<640x128xf32, #tpu.memory_space<hbm>>
      %dma_wait3A_39 = arith.constant 0 : i32
      %dma_wait3A_40 = tpu.memref_slice %arg15[%mul3A_28, %dma_wait3A_39] : memref<10240x128xf32, #tpu.memory_space<vmem_shared>> -> memref<640x128xf32, #tpu.memory_space<vmem_shared>>
      tpu.wait_dma2 semaphore(%run_scoped3A : memref<!tpu.dma_semaphore, #tpu.memory_space<semaphore_mem>>) src(%dma_wait3A_40 : memref<640x128xf32, #tpu.memory_space<vmem_shared>>) dst(%dma_wait3A_38 : memref<640x128xf32, #tpu.memory_space<hbm>>)
      tpu.yield
    }) : () -> ()
    return
  }
}

module attributes {stable_mosaic.version = 14 : i64} {
  func.func @body(%arg0: i32, %arg1: memref<640x128xf32, #tpu.memory_space<vmem>>, %arg2: memref<128x128xf32, #tpu.memory_space<vmem>>, %arg3: memref<2x640x16xf32, #tpu.memory_space<vmem>>, %arg4: memref<640x128xf32, #tpu.memory_space<vmem>>, %arg5: memref<640x1xf32, #tpu.memory_space<vmem>>) attributes {dimension_semantics = [#tpu.dimension_semantics<arbitrary>], iteration_bounds = array<i64: 16>, scalar_prefetch = 0 : i64, scratch_operands = 0 : i64, tpu.core_type = #tpu.core_type<tc>, window_params = [{transform_indices = @transform_0, window_bounds = array<i64: 640, 128>}, {pipeline_mode = #tpu.pipeline_mode<synchronous>, transform_indices = @transform_1, window_bounds = array<i64: 128, 128>}, {transform_indices = @transform_2, window_bounds = array<i64: 2, 640, 16>}, {transform_indices = @transform_3, window_bounds = array<i64: 640, 128>}, {transform_indices = @transform_4, window_bounds = array<i64: 640, 1>}]} {
    %get3A = arith.constant 0 : index
    %get3A_0 = arith.constant 0 : index
    %get3A_1 = arith.constant 0 : index
    %get3A_2 = vector.load %arg3[%get3A, %get3A_0, %get3A_1] : memref<2x640x16xf32, #tpu.memory_space<vmem>>, vector<2x640x16xf32>
    %slice3A = vector.extract_strided_slice %get3A_2 {offsets = [0, 0, 0], sizes = [1, 640, 1], strides = [1, 1, 1]} : vector<2x640x16xf32> to vector<1x640x1xf32>
    %squeeze3A = vector.shape_cast %slice3A : vector<1x640x1xf32> to vector<640xf32>
    %slice3A_3 = vector.extract_strided_slice %get3A_2 {offsets = [1, 0, 0], sizes = [1, 640, 1], strides = [1, 1, 1]} : vector<2x640x16xf32> to vector<1x640x1xf32>
    %squeeze3A_4 = vector.shape_cast %slice3A_3 : vector<1x640x1xf32> to vector<640xf32>
    %add3A = arith.addf %squeeze3A, %squeeze3A_4 : vector<640xf32>
    %add3A_5 = arith.constant 1.000000e+00 : f32
    %add3A_6 = vector.broadcast %add3A_5 : f32 to vector<640xf32>
    %add3A_7 = arith.addf %add3A, %add3A_6 : vector<640xf32>
    %rsqrt3A = math.rsqrt %add3A_7 : vector<640xf32>
    %get3A_8 = arith.constant 0 : index
    %get3A_9 = arith.constant 0 : index
    %get3A_10 = vector.load %arg1[%get3A_8, %get3A_9] : memref<640x128xf32, #tpu.memory_space<vmem>>, vector<640x128xf32>
    %get3A_11 = arith.constant 0 : index
    %get3A_12 = arith.constant 0 : index
    %get3A_13 = vector.load %arg2[%get3A_11, %get3A_12] : memref<128x128xf32, #tpu.memory_space<vmem>>, vector<128x128xf32>
    %dot_general3A = arith.constant dense<0.000000e+00> : vector<640x128xf32>
    %dot_general3A_14 = tpu.matmul %get3A_10, %get3A_13, %dot_general3A {dimension_numbers = #tpu.dot_dimension_numbers<[1], [0], [0], [1], [0, 0, 1, 1], [], []>, transpose_lhs_hint = false} : vector<640x128xf32>, vector<128x128xf32>, vector<640x128xf32> -> vector<640x128xf32>
    %broadcast_in_dim3A = vector.shape_cast %rsqrt3A : vector<640xf32> to vector<640x1xf32>
    %mul3A = vector.broadcast %broadcast_in_dim3A : vector<640x1xf32> to vector<640x128xf32>
    %mul3A_15 = arith.mulf %dot_general3A_14, %mul3A : vector<640x128xf32>
    %swap3A = arith.constant 0 : index
    %swap3A_16 = arith.constant 0 : index
    %swap3A_17 = vector.load %arg4[%swap3A, %swap3A_16] : memref<640x128xf32, #tpu.memory_space<vmem>>, vector<640x128xf32>
    tpu.vector_store %arg4[%swap3A, %swap3A_16], %mul3A_15 {strides = array<i32>} : memref<640x128xf32, #tpu.memory_space<vmem>>, vector<640x128xf32>,
    %broadcast_in_dim3A_18 = vector.shape_cast %rsqrt3A : vector<640xf32> to vector<640x1xf32>
    %swap3A_19 = arith.constant 0 : index
    %swap3A_20 = arith.constant 0 : index
    %swap3A_21 = vector.load %arg5[%swap3A_19, %swap3A_20] : memref<640x1xf32, #tpu.memory_space<vmem>>, vector<640x1xf32>
    tpu.vector_store %arg5[%swap3A_19, %swap3A_20], %broadcast_in_dim3A_18 {strides = array<i32>} : memref<640x1xf32, #tpu.memory_space<vmem>>, vector<640x1xf32>,
    return
  }
  func.func @transform_0(%arg0: i32) -> (i32, i32) {
    %c0_i32 = arith.constant 0 : i32
    %c0_i32_0 = arith.constant 0 : i32
    return %arg0, %c0_i32 : i32, i32
  }
  func.func @transform_1(%arg0: i32) -> (i32, i32) {
    %c0_i32 = arith.constant 0 : i32
    %c0_i32_0 = arith.constant 0 : i32
    %c0_i32_1 = arith.constant 0 : i32
    return %c0_i32, %c0_i32_0 : i32, i32
  }
  func.func @transform_2(%arg0: i32) -> (i32, i32, i32) {
    %c0_i32 = arith.constant 0 : i32
    %c0_i32_0 = arith.constant 0 : i32
    %c0_i32_1 = arith.constant 0 : i32
    return %c0_i32, %arg0, %c0_i32_0 : i32, i32, i32
  }
  func.func @transform_3(%arg0: i32) -> (i32, i32) {
    %c0_i32 = arith.constant 0 : i32
    %c0_i32_0 = arith.constant 0 : i32
    return %arg0, %c0_i32 : i32, i32
  }
  func.func @transform_4(%arg0: i32) -> (i32, i32) {
    %c0_i32 = arith.constant 0 : i32
    %c0_i32_0 = arith.constant 0 : i32
    return %arg0, %c0_i32 : i32, i32
  }
}

module attributes {stable_mosaic.version = 14 : i64} {
  func.func @body(%arg0: i32, %arg1: memref<2x640x128xf32, #tpu.memory_space<vmem>>, %arg2: memref<640x128xf32, #tpu.memory_space<vmem>>, %arg3: memref<640x1xf32, #tpu.memory_space<vmem>>, %arg4: memref<1x128xf32, #tpu.memory_space<vmem>>, %arg5: memref<128x128xf32, #tpu.memory_space<vmem>>, %arg6: memref<640x128xf32, #tpu.memory_space<vmem>>) attributes {dimension_semantics = [#tpu.dimension_semantics<arbitrary>], iteration_bounds = array<i64: 16>, scalar_prefetch = 0 : i64, scratch_operands = 0 : i64, tpu.core_type = #tpu.core_type<tc>, window_params = [{transform_indices = @transform_0, window_bounds = array<i64: 2, 640, 128>}, {transform_indices = @transform_1, window_bounds = array<i64: 640, 128>}, {transform_indices = @transform_2, window_bounds = array<i64: 640, 1>}, {pipeline_mode = #tpu.pipeline_mode<synchronous>, transform_indices = @transform_3, window_bounds = array<i64: 1, 128>}, {pipeline_mode = #tpu.pipeline_mode<synchronous>, transform_indices = @transform_4, window_bounds = array<i64: 128, 128>}, {transform_indices = @transform_5, window_bounds = array<i64: 640, 128>}]} {
    %get3A = arith.constant 0 : index
    %get3A_0 = arith.constant 0 : index
    %get3A_1 = arith.constant 0 : index
    %get3A_2 = vector.load %arg1[%get3A, %get3A_0, %get3A_1] : memref<2x640x128xf32, #tpu.memory_space<vmem>>, vector<2x640x128xf32>
    %get3A_3 = arith.constant 0 : index
    %get3A_4 = arith.constant 0 : index
    %get3A_5 = vector.load %arg3[%get3A_3, %get3A_4] : memref<640x1xf32, #tpu.memory_space<vmem>>, vector<640x1xf32>
    %slice3A = vector.extract_strided_slice %get3A_2 {offsets = [0, 0, 0], sizes = [1, 640, 128], strides = [1, 1, 1]} : vector<2x640x128xf32> to vector<1x640x128xf32>
    %squeeze3A = vector.shape_cast %slice3A : vector<1x640x128xf32> to vector<640x128xf32>
    %slice3A_6 = vector.extract_strided_slice %get3A_2 {offsets = [1, 0, 0], sizes = [1, 640, 128], strides = [1, 1, 1]} : vector<2x640x128xf32> to vector<1x640x128xf32>
    %squeeze3A_7 = vector.shape_cast %slice3A_6 : vector<1x640x128xf32> to vector<640x128xf32>
    %add3A = arith.addf %squeeze3A, %squeeze3A_7 : vector<640x128xf32>
    %get3A_8 = arith.constant 0 : index
    %get3A_9 = arith.constant 0 : index
    %get3A_10 = vector.load %arg2[%get3A_8, %get3A_9] : memref<640x128xf32, #tpu.memory_space<vmem>>, vector<640x128xf32>
    %add3A_11 = arith.addf %add3A, %get3A_10 : vector<640x128xf32>
    %mul3A = vector.broadcast %get3A_5 : vector<640x1xf32> to vector<640x128xf32>
    %mul3A_12 = arith.mulf %mul3A, %add3A_11 : vector<640x128xf32>
    %get3A_13 = arith.constant 0 : index
    %get3A_14 = arith.constant 0 : index
    %get3A_15 = vector.load %arg4[%get3A_13, %get3A_14] : memref<1x128xf32, #tpu.memory_space<vmem>>, vector<1x128xf32>
    %add3A_16 = vector.broadcast %get3A_15 : vector<1x128xf32> to vector<640x128xf32>
    %add3A_17 = arith.addf %mul3A_12, %add3A_16 : vector<640x128xf32>
    %max3A = arith.constant 0.000000e+00 : f32
    %max3A_18 = vector.broadcast %max3A : f32 to vector<640x128xf32>
    %max3A_19 = arith.maximumf %add3A_17, %max3A_18 : vector<640x128xf32>
    %get3A_20 = arith.constant 0 : index
    %get3A_21 = arith.constant 0 : index
    %get3A_22 = vector.load %arg5[%get3A_20, %get3A_21] : memref<128x128xf32, #tpu.memory_space<vmem>>, vector<128x128xf32>
    %dot_general3A = arith.constant dense<0.000000e+00> : vector<640x128xf32>
    %dot_general3A_23 = tpu.matmul %max3A_19, %get3A_22, %dot_general3A {dimension_numbers = #tpu.dot_dimension_numbers<[1], [0], [0], [1], [0, 0, 1, 1], [], []>, transpose_lhs_hint = false} : vector<640x128xf32>, vector<128x128xf32>, vector<640x128xf32> -> vector<640x128xf32>
    %mul3A_24 = vector.broadcast %get3A_5 : vector<640x1xf32> to vector<640x128xf32>
    %mul3A_25 = arith.mulf %dot_general3A_23, %mul3A_24 : vector<640x128xf32>
    %swap3A = arith.constant 0 : index
    %swap3A_26 = arith.constant 0 : index
    %swap3A_27 = vector.load %arg6[%swap3A, %swap3A_26] : memref<640x128xf32, #tpu.memory_space<vmem>>, vector<640x128xf32>
    tpu.vector_store %arg6[%swap3A, %swap3A_26], %mul3A_25 {strides = array<i32>} : memref<640x128xf32, #tpu.memory_space<vmem>>, vector<640x128xf32>,
    return
  }
  func.func @transform_0(%arg0: i32) -> (i32, i32, i32) {
    %c0_i32 = arith.constant 0 : i32
    %c0_i32_0 = arith.constant 0 : i32
    %c0_i32_1 = arith.constant 0 : i32
    return %c0_i32, %arg0, %c0_i32_0 : i32, i32, i32
  }
  func.func @transform_1(%arg0: i32) -> (i32, i32) {
    %c0_i32 = arith.constant 0 : i32
    %c0_i32_0 = arith.constant 0 : i32
    return %arg0, %c0_i32 : i32, i32
  }
  func.func @transform_2(%arg0: i32) -> (i32, i32) {
    %c0_i32 = arith.constant 0 : i32
    %c0_i32_0 = arith.constant 0 : i32
    return %arg0, %c0_i32 : i32, i32
  }
  func.func @transform_3(%arg0: i32) -> (i32, i32) {
    %c0_i32 = arith.constant 0 : i32
    %c0_i32_0 = arith.constant 0 : i32
    %c0_i32_1 = arith.constant 0 : i32
    return %c0_i32, %c0_i32_0 : i32, i32
  }
  func.func @transform_4(%arg0: i32) -> (i32, i32) {
    %c0_i32 = arith.constant 0 : i32
    %c0_i32_0 = arith.constant 0 : i32
    %c0_i32_1 = arith.constant 0 : i32
    return %c0_i32, %c0_i32_0 : i32, i32
  }
  func.func @transform_5(%arg0: i32) -> (i32, i32) {
    %c0_i32 = arith.constant 0 : i32
    %c0_i32_0 = arith.constant 0 : i32
    return %arg0, %c0_i32 : i32, i32
  }
}

module attributes {stable_mosaic.version = 14 : i64} {
  func.func @body(%arg0: i32, %arg1: memref<2x640x128xf32, #tpu.memory_space<vmem>>, %arg2: memref<640x128xf32, #tpu.memory_space<vmem>>, %arg3: memref<640x1xf32, #tpu.memory_space<vmem>>, %arg4: memref<1x128xf32, #tpu.memory_space<vmem>>, %arg5: memref<128x1xf32, #tpu.memory_space<vmem>>, %arg6: memref<1x1xf32, #tpu.memory_space<vmem>>, %arg7: memref<640x1xf32, #tpu.memory_space<vmem>>) attributes {dimension_semantics = [#tpu.dimension_semantics<arbitrary>], iteration_bounds = array<i64: 16>, scalar_prefetch = 0 : i64, scratch_operands = 0 : i64, tpu.core_type = #tpu.core_type<tc>, window_params = [{transform_indices = @transform_0, window_bounds = array<i64: 2, 640, 128>}, {transform_indices = @transform_1, window_bounds = array<i64: 640, 128>}, {transform_indices = @transform_2, window_bounds = array<i64: 640, 1>}, {pipeline_mode = #tpu.pipeline_mode<synchronous>, transform_indices = @transform_3, window_bounds = array<i64: 1, 128>}, {pipeline_mode = #tpu.pipeline_mode<synchronous>, transform_indices = @transform_4, window_bounds = array<i64: 128, 1>}, {pipeline_mode = #tpu.pipeline_mode<synchronous>, transform_indices = @transform_5, window_bounds = array<i64: 1, 1>}, {transform_indices = @transform_6, window_bounds = array<i64: 640, 1>}]} {
    %get3A = arith.constant 0 : index
    %get3A_0 = arith.constant 0 : index
    %get3A_1 = arith.constant 0 : index
    %get3A_2 = vector.load %arg1[%get3A, %get3A_0, %get3A_1] : memref<2x640x128xf32, #tpu.memory_space<vmem>>, vector<2x640x128xf32>
    %get3A_3 = arith.constant 0 : index
    %get3A_4 = arith.constant 0 : index
    %get3A_5 = vector.load %arg3[%get3A_3, %get3A_4] : memref<640x1xf32, #tpu.memory_space<vmem>>, vector<640x1xf32>
    %slice3A = vector.extract_strided_slice %get3A_2 {offsets = [0, 0, 0], sizes = [1, 640, 128], strides = [1, 1, 1]} : vector<2x640x128xf32> to vector<1x640x128xf32>
    %squeeze3A = vector.shape_cast %slice3A : vector<1x640x128xf32> to vector<640x128xf32>
    %slice3A_6 = vector.extract_strided_slice %get3A_2 {offsets = [1, 0, 0], sizes = [1, 640, 128], strides = [1, 1, 1]} : vector<2x640x128xf32> to vector<1x640x128xf32>
    %squeeze3A_7 = vector.shape_cast %slice3A_6 : vector<1x640x128xf32> to vector<640x128xf32>
    %add3A = arith.addf %squeeze3A, %squeeze3A_7 : vector<640x128xf32>
    %get3A_8 = arith.constant 0 : index
    %get3A_9 = arith.constant 0 : index
    %get3A_10 = vector.load %arg2[%get3A_8, %get3A_9] : memref<640x128xf32, #tpu.memory_space<vmem>>, vector<640x128xf32>
    %add3A_11 = arith.addf %add3A, %get3A_10 : vector<640x128xf32>
    %mul3A = vector.broadcast %get3A_5 : vector<640x1xf32> to vector<640x128xf32>
    %mul3A_12 = arith.mulf %mul3A, %add3A_11 : vector<640x128xf32>
    %get3A_13 = arith.constant 0 : index
    %get3A_14 = arith.constant 0 : index
    %get3A_15 = vector.load %arg4[%get3A_13, %get3A_14] : memref<1x128xf32, #tpu.memory_space<vmem>>, vector<1x128xf32>
    %add3A_16 = vector.broadcast %get3A_15 : vector<1x128xf32> to vector<640x128xf32>
    %add3A_17 = arith.addf %mul3A_12, %add3A_16 : vector<640x128xf32>
    %max3A = arith.constant 0.000000e+00 : f32
    %max3A_18 = vector.broadcast %max3A : f32 to vector<640x128xf32>
    %max3A_19 = arith.maximumf %add3A_17, %max3A_18 : vector<640x128xf32>
    %get3A_20 = arith.constant 0 : index
    %get3A_21 = arith.constant 0 : index
    %get3A_22 = vector.load %arg5[%get3A_20, %get3A_21] : memref<128x1xf32, #tpu.memory_space<vmem>>, vector<128x1xf32>
    %dot_general3A = arith.constant dense<0.000000e+00> : vector<640x1xf32>
    %dot_general3A_23 = tpu.matmul %max3A_19, %get3A_22, %dot_general3A {dimension_numbers = #tpu.dot_dimension_numbers<[1], [0], [0], [1], [0, 0, 1, 1], [], []>, transpose_lhs_hint = false} : vector<640x128xf32>, vector<128x1xf32>, vector<640x1xf32> -> vector<640x1xf32>
    %get3A_24 = arith.constant 0 : index
    %get3A_25 = arith.constant 0 : index
    %get3A_26 = vector.load %arg6[%get3A_24, %get3A_25] : memref<1x1xf32, #tpu.memory_space<vmem>>, vector<1x1xf32>
    %add3A_27 = vector.broadcast %get3A_26 : vector<1x1xf32> to vector<640x1xf32>
    %add3A_28 = arith.addf %dot_general3A_23, %add3A_27 : vector<640x1xf32>
    %swap3A = arith.constant 0 : index
    %swap3A_29 = arith.constant 0 : index
    %swap3A_30 = vector.load %arg7[%swap3A, %swap3A_29] : memref<640x1xf32, #tpu.memory_space<vmem>>, vector<640x1xf32>
    tpu.vector_store %arg7[%swap3A, %swap3A_29], %add3A_28 {strides = array<i32>} : memref<640x1xf32, #tpu.memory_space<vmem>>, vector<640x1xf32>,
    return
  }
  func.func @transform_0(%arg0: i32) -> (i32, i32, i32) {
    %c0_i32 = arith.constant 0 : i32
    %c0_i32_0 = arith.constant 0 : i32
    %c0_i32_1 = arith.constant 0 : i32
    return %c0_i32, %arg0, %c0_i32_0 : i32, i32, i32
  }
  func.func @transform_1(%arg0: i32) -> (i32, i32) {
    %c0_i32 = arith.constant 0 : i32
    %c0_i32_0 = arith.constant 0 : i32
    return %arg0, %c0_i32 : i32, i32
  }
  func.func @transform_2(%arg0: i32) -> (i32, i32) {
    %c0_i32 = arith.constant 0 : i32
    %c0_i32_0 = arith.constant 0 : i32
    return %arg0, %c0_i32 : i32, i32
  }
  func.func @transform_3(%arg0: i32) -> (i32, i32) {
    %c0_i32 = arith.constant 0 : i32
    %c0_i32_0 = arith.constant 0 : i32
    %c0_i32_1 = arith.constant 0 : i32
    return %c0_i32, %c0_i32_0 : i32, i32
  }
  func.func @transform_4(%arg0: i32) -> (i32, i32) {
    %c0_i32 = arith.constant 0 : i32
    %c0_i32_0 = arith.constant 0 : i32
    %c0_i32_1 = arith.constant 0 : i32
    return %c0_i32, %c0_i32_0 : i32, i32
  }
  func.func @transform_5(%arg0: i32) -> (i32, i32) {
    %c0_i32 = arith.constant 0 : i32
    %c0_i32_0 = arith.constant 0 : i32
    %c0_i32_1 = arith.constant 0 : i32
    return %c0_i32, %c0_i32_0 : i32, i32
  }
  func.func @transform_6(%arg0: i32) -> (i32, i32) {
    %c0_i32 = arith.constant 0 : i32
    %c0_i32_0 = arith.constant 0 : i32
    return %arg0, %c0_i32 : i32, i32
  }
}

</mosaic_0001>

<sc_bundles>
// kernel: kernel.11.cloned.1.call-start
scs
__scs_entry_jumppad:
0x0: {  	(pc) =	sbr.rel $0x88, $3  }
0x1: {  	(tag) =	ssettag $0x0;
	lr =	simm.s32 $0x1  }
0x2: {  	[smem:$0x3F99] =	sst lr;
	_ =	strace $0xD0000000  }
0x3: {  	_ = 	snop  }
0x4: {  	_ = 	snop  }
0x5: {  	_ = 	snop  }
0x6: {  	_ = 	snop  }
0x7: {  	_ = 	snop  }
__scs_overlays_trampoline_lowered:
0x8: {  	[smem:$0x3FA8] =	sst s0  }
0x9: {  	[smem:$0x3FA9] =	sst s1  }
0xa: {  	[smem:$0x3FAA] =	sst s2  }
0xb: {  	[smem:$0x3FAB] =	sst s3  }
0xc: {  	[smem:$0x3FAC] =	sst s4  }
0xd: {  	[smem:$0x3FAD] =	sst s5  }
0xe: {  	[smem:$0x3FAE] =	sst s6  }
0xf: {  	[smem:$0x3FAF] =	sst s7  }
0x10: {  	[smem:$0x3FB0] =	sst s8  }
0x11: {  	[smem:$0x3FB1] =	sst s9;
	s0 =	simm.s32 @!p0 $0x0  }
0x12: {  	s1 =	sld [smem:$0x3F97];
	s0 =	simm.s32 @p0 $0x1  }
0x13: {  	[smem:$0x3FB2] =	sst s0;
	s0 =	simm.s32 @!p1 $0x0  }
0x14: {  	s2 =	sld [smem:$0x3F96];
	s0 =	simm.s32 @p1 $0x1  }
0x15: {  	[smem:$0x3FB3] =	sst s0;
	s0 =	simm.s32 @!p2 $0x0  }
0x16: {  	s3 =	sld [smem:$0x3FDB];
	s0 =	simm.s32 @p2 $0x1  }
0x17: {  	s4 =	simm.s32 $0x1BF5;
	[smem:$0x3FB5] =	sst s0  }
0x18: {  	s0 =	sld [smem:$0x3F98];
	_ =	swait.ge [sflag:s4], $0x0  }
0x19: {  	s7 =	sld [smem:$0x3F99]  }
0x1a: {  	s8 =	sadd.s32 $0xFFFFE003, lr  }
0x1b: {  	s9 =	sadd.s32 $0xFFFFFEF7, lr;
	s5 =	simm.s32 $0xFFFFFFFF;
	p2 =	slt.u32 s8, $0xFFFFF086  }
0x1c: {  	p1 =	slt.u32 s9, $0xF7A;
	s5 =	simm.s32 @!p2 $0x0  }
0x1d: {  	s5 =	simm.s32 @p1 $0x1;
	p0 =	seq.s32 s7, s2  }
0x1e: {  	s7 =	smul.u32 @!p0 $0xF7A, s2;
	p2 =	seq.s32 @!p0 s5, $0x0  }
0x1f: {  	s9 =	smul.u32 $0xF7A, s1;
	s8 =	simm.s32 @!p0 $0x1BF5;
	p2 =	por !p2, p0  }
0x20: {  	[sflag:s8] =	ssyncset.s32 @!p0 $0xFFFFF086;
	s6 =	sadd.s32 @!p0 s3, s7;
	s7 =	simm.s32 @!p0 $0x108  }
0x21: {  	s3 =	sadd.s32 s3, s9;
	s6 =	sadd.s32 @!p0 $0x88, s6;
	s7 =	simm.s32 @p2 $0x1082  }
0x22: {  	[simem:s7], [sflag:s8] =	dma.local @!p0 [hbm:s6], $0xF7A  }
0x23: {  	s9 =	sor.u32 $0xD0000000, s2;
	s6 =	simm.s32 $0x108;
	_ =	swait.ge @!p0 [sflag:s8], $0x0  }
0x24: {  	s3 =	sadd.s32 $0x88, s3;
	s6 =	simm.s32 @!p1 $0x1082;
	[sflag:s4] =	ssyncset.s32 $0xFFFFF086  }
0x25: {  	[simem:s6], [sflag:s4] =	dma.local [hbm:s3], $0xF7A  }
0x26: {  	[smem:$0x3F99] =	sst s1;
	(tag) =	ssettag s2;
	_ =	strace s9  }
0x27: {  	s1 =	sld [smem:$0x3FA9]  }
0x28: {  	s2 =	sld [smem:$0x3FAA]  }
0x29: {  	s4 =	sld [smem:$0x3FAC]  }
0x2a: {  	p0 =	seq.s32 s5, $0x0;
	s5 =	sld [smem:$0x3FAD]  }
0x2b: {  	s6 =	sld [smem:$0x3FAE]  }
0x2c: {  	s7 =	sld [smem:$0x3FAF]  }
0x2d: {  	s3 =	simm.s32 $0x108;
	s8 =	sld [smem:$0x3FB0]  }
0x2e: {  	s3 =	simm.s32 @!p0 $0x1082;
	s9 =	sld [smem:$0x3FB1]  }
0x2f: {  	lr =	sadd.s32 s0, s3;
	s0 =	sld [smem:$0x3FA8]  }
0x30: {  	s3 =	sld [smem:$0x3FAB]  }
0x31: {  	[smem:$0x3FB4] =	sst s10  }
0x32: {  	s10 =	sld [smem:$0x3FB2];
	_ =	sdelay $0x3  }
0x33: {  	p0 =	seq.s32 s10, $0x1;
	s10 =	sld [smem:$0x3FB4];
	_ =	sdelay $0x3  }
0x34: {  	[smem:$0x3FB4] =	sst s10  }
0x35: {  	s10 =	sld [smem:$0x3FB3];
	_ =	sdelay $0x3  }
0x36: {  	p1 =	seq.s32 s10, $0x1;
	s10 =	sld [smem:$0x3FB4];
	_ =	sdelay $0x3  }
0x37: {  	[smem:$0x3FB4] =	sst s10  }
0x38: {  	s10 =	sld [smem:$0x3FB5]  }
0x39: {  	_ = 	snop;
	(pc) =	sbr.ind lr, $3  }
0x3a: {  	_ = 	snop  }
0x3b: {  	_ = 	snop  }
0x3c: {  	p2 =	seq.s32 s10, $0x1;
	s10 =	sld [smem:$0x3FB4]  }
0x3d: {  	_ =	shalt  }
0x3e: {  	_ =	shalt  }
0x3f: {  	_ =	shalt  }
0x40: {  	_ =	shalt  }
0x41: {  	_ =	shalt  }
0x42: {  	_ =	shalt  }
0x43: {  	_ =	shalt  }
0x44: {  	_ =	shalt  }
0x45: {  	_ =	shalt  }
0x46: {  	_ =	shalt  }
0x47: {  	_ =	shalt  }
0x48: {  	_ =	shalt  }
0x49: {  	_ =	shalt  }
0x4a: {  	_ =	shalt  }
0x4b: {  	_ =	shalt  }
0x4c: {  	_ =	shalt  }
0x4d: {  	_ =	shalt  }
0x4e: {  	_ =	shalt  }
0x4f: {  	_ =	shalt  }
0x50: {  	_ =	shalt  }
0x51: {  	_ =	shalt  }
0x52: {  	_ =	shalt  }
0x53: {  	_ =	shalt  }
0x54: {  	_ =	shalt  }
0x55: {  	_ =	shalt  }
0x56: {  	_ =	shalt  }
0x57: {  	_ =	shalt  }
0x58: {  	_ =	shalt  }
0x59: {  	_ =	shalt  }
0x5a: {  	_ =	shalt  }
0x5b: {  	_ =	shalt  }
0x5c: {  	_ =	shalt  }
0x5d: {  	_ =	shalt  }
0x5e: {  	_ =	shalt  }
0x5f: {  	_ =	shalt  }
0x60: {  	_ =	shalt  }
0x61: {  	_ =	shalt  }
0x62: {  	_ =	shalt  }
0x63: {  	_ =	shalt  }
0x64: {  	_ =	shalt  }
0x65: {  	_ =	shalt  }
0x66: {  	_ =	shalt  }
0x67: {  	_ =	shalt  }
0x68: {  	_ =	shalt  }
0x69: {  	_ =	shalt  }
0x6a: {  	_ =	shalt  }
0x6b: {  	_ =	shalt  }
0x6c: {  	_ =	shalt  }
0x6d: {  	_ =	shalt  }
0x6e: {  	_ =	shalt  }
0x6f: {  	_ =	shalt  }
0x70: {  	_ =	shalt  }
0x71: {  	_ =	shalt  }
0x72: {  	_ =	shalt  }
0x73: {  	_ =	shalt  }
0x74: {  	_ =	shalt  }
0x75: {  	_ =	shalt  }
0x76: {  	_ =	shalt  }
0x77: {  	_ =	shalt  }
0x78: {  	_ =	shalt  }
0x79: {  	_ =	shalt  }
0x7a: {  	_ =	shalt  }
0x7b: {  	_ =	shalt  }
0x7c: {  	_ =	shalt  }
0x7d: {  	_ =	shalt  }
0x7e: {  	_ =	shalt  }
0x7f: {  	_ =	shalt  }
0x80: {  	_ =	shalt  }
0x81: {  	_ =	shalt  }
0x82: {  	_ =	shalt  }
0x83: {  	_ =	shalt  }
0x84: {  	_ =	shalt  }
0x85: {  	_ =	shalt  }
0x86: {  	_ =	shalt  }
0x87: {  	_ =	shalt  }
.Lfunc_end0:
.L_simem_size_0:
called_computation.1_lowered:
.L_overlay_start_0:
0x88: {  	s2 =	sld [smem:$0x3FD9]  }
0x89: {  	s3 =	sld [smem:$0x3FFE];
	_ =	sdelay $0x1  }
0x8a: {  	s1 =	srdreg.scid  }
0x8b: {  	s0 =	sand.u32 $0x1, s1  }
0x8c: {  	s16 =	sshll.u32 s0, $0xA;
	s2 =	sadd.s32 s3, s2  }
0x8d: {  	s2 =	sadd.s32 s2, s16  }
0x8e: {  	[smem:$0x3FC0] =	sst s2  }
0x8f: {  	_ = 	snop  }
0x90: {  	(tm) =	ssettm $0x1  }
0x91: {  	s17 =	sld [smem:$0x3FFB];
	_ =	sdelay $0x3  }
0x92: {  	_ =	strace s17  }
0x93: {  	s2 =	sld [smem:$0x3FFC];
	_ =	sdelay $0x3  }
0x94: {  	_ =	strace s2  }
0x95: {  	s2 =	sld [smem:$0x3FFD];
	_ =	sdelay $0x3  }
0x96: {  	_ =	strace s2  }
0x97: {  	_ =	strace $0x8FFFFFFF  }
0x98: {  	s18 =	sld [smem:$0x3FDB];
	_ =	sdelay $0x1  }
0x99: {  	s19 =	simm.s32 $_scs_section_size  }
0x9a: {  	s4 =	simm.s32 $_size__tile_overlayer_lowered;
	s5 =	simm.s32 $_tile_overlayer_lowered  }
0x9b: {  	s22 =	simm.s32 $0x1BFF;
	s21 =	sshll.u32 s5, $0x1;
	s2 =	sadd.s32 s19, s18  }
0x9c: {  	s6 =	simm.s32 $0x0;
	s20 =	sshll.u32 s4, $0x1;
	s4 =	sadd.s32 s21, s2  }
0x9d: {  	[timem:s6], [sflag:s22] =	dma.local [hbm:s4], s20  }
0x9e: {  	_ =	swait.ge [sflag:s22], s20  }
0x9f: {  	s3 =	ssub.s32 $0x0, s20;
	[sflag:s22] =	ssyncset.done $0x0  }
0xa0: {  	[sflag:s22] =	ssyncadd.s32 s3;
	_ =	sdelay $0x1  }
0xa1: {  	s23 =	simm.s32 $0x1B8B  }
0xa2: {  	_ =	swait.ge [sflag:s23], $0x1  }
0xa3: {  	[sflag:s23] =	ssyncset.done $0x0  }
0xa4: {  	s25 =	simm.s32 $0x1B8E;
	s24 =	sld [smem:$0x3FFE];
	[sflag:s23] =	ssyncadd.s32 $0xFFFFFFFF  }
0xa5: {  	s26 =	simm.s32 $execute0_lowered;
	[smem:$0x3FD2] =	sst s25  }
0xa6: {  	s4 =	sshll.u32 s26, $0x1;
	_ =	strace $0x80000049;
	[dreg:$0x1] =	wrdreg $0xFFFFFFFF  }
0xa7: {  	s28 =	simm.s32 $_size_execute0_lowered;
	s2 =	sadd.s32 s2, s4;
	[dreg:$0x0] =	wrdreg $0x0  }
0xa8: {  	s4 =	sshll.u32 s28, $0x1;
	[dreg:$0x2] =	wrdreg s2  }
0xa9: {  	[dreg:$0x3] =	wrdreg s4  }
0xaa: {  	[dreg:$0x4] =	wrdreg $0xC0  }
0xab: {  	_ =	task [dreg:s6], $0x5FFFF  }
0xac: {  	[dreg:$0x1] =	wrdreg $0xFFFFFFFF  }
0xad: {  	[dreg:$0x0] =	wrdreg $0x60  }
0xae: {  	[dreg:$0x2] =	wrdreg s24  }
0xaf: {  	[dreg:$0x3] =	wrdreg $0xA6600  }
0xb0: {  	[dreg:$0x4] =	wrdreg $0x9  }
0xb1: {  	_ =	task.clear_ibuf [dreg:s6], $0x5FFFF;
	_ =	strace $0x90000049  }
0xb2: {  	s29 =	simm.s32 $0x9;
	_ =	strace $0x8000004B  }
0xb3: {  	_ =	swait.ge [sflag:s29], $0x1  }
0xb4: {  	[sflag:s29] =	ssyncadd.s32 $0xFFFFFFFF  }
0xb5: {  	_ =	strace $0x9000004B  }
0xb6: {  	_ =	sfence  }
0xb7: {  	s30 =	sld [smem:$0x0];
	_ =	sdelay $0x2  }
0xb8: {  	s31 =	sshll.u32 s1, $0xD;
	s1 =	sshrl.u32 s1, $0x2  }
0xb9: {  	s3 =	sand.u32 $0x4000, s31;
	s1 =	sadd.s32 s1, s30  }
0xba: {  	s0 =	sor.u32 s3, s0;
	s1 =	sshll.u32 s1, $0x11  }
0xbb: {  	s0 =	sor.u32 s1, s0  }
0xbc: {  	s0 =	sadd.s32 $0x8F2B, s0  }
0xbd: {  	[sflag:s0] =	ssyncadd.remote.s32 $0x1  }
0xbe: {  	_ =	sfence.sel $0xFFFF  }
0xbf: {  	[dreg:$0x0] =	wrdreg $0xFFFFFFFF;
	(pc) =	sbr.abs _section_cstart, $3  }
0xc0: {  	[dreg:$0x1] =	wrdreg $0xFFFFFFFF  }
0xc1: {  	_ =	task.clear_ibuf [dreg:s6], $0x2FFFF;
	_ =	strace $0x9FFFFFFF  }
0xc2: {  	(tm) =	ssettm $0x7FFFFFFF  }
0xc3: {  	_ =	shalt  }
tec
execute0_lowered:
.L_overlay_start_1:
0x0: {  	(tag) =	ssettag $0x1  }
0x1: {  	s6 =	rddreg [dreg:$0x0];
	s0 =	srdreg.scid  }
0x2: {  	s2 =	rddreg [dreg:$0x1];
	s1 =	stileid.u32;
	s3 =	simm.s32 $0x0  }
0x3: {  	s14 =	simm.s32 $0x58;
	s15 =	simm.s32 $0x4E60;
	s16 =	simm.s32 $0x1  }
0x4: {  	s17 =	simm.s32 $0x7A60;
	s18 =	simm.s32 $0x2;
	s19 =	simm.s32 $0x2788  }
0x5: {  	s20 =	simm.s32 $0x3;
	s21 =	simm.s32 $0xB0;
	s22 =	simm.s32 $0x4  }
0x6: {  	s23 =	simm.s32 $0x0;
	s5 =	sand.u32 $0x1, s0;
	s0 =	rddreg [dreg:$0x2]  }
0x7: {  	s8 =	smul.u32 $0x14000, s1;
	[smem:$0x7FF] =	sst s3;
	s12 =	sshll.u32 s1, $0x6  }
0x8: {  	s4 =	sshll.u32 s5, $0x4;
	s7 =	smul.u32 $0x140000, s5;
	_ =	strace $0x8000004A  }
0x9: {  	s10 =	ssub.s32 $0x2, s5;
	s5 =	sadd.s32 $0xC400, s6;
	s4 =	sor.u32 s1, s4  }
0xa: {  	s12 =	sor.u32 $0x1C05, s12;
	s31 =	sshrl.u32 s10, $0x1;
	s9 =	smul.u32 $0x4E6, s4  }
.Ltmp0:
0xb: {  	s13 =	sadd.s32 s8, s2;
	s7 =	sadd.s32 s8, s7;
	(pc) =	sbr.rel .LBB2_1-.Ltmp0, $4  }
0xc: {  	s4 =	sadd.s32 $0x20800, s6;
	s10 =	ssub.s32 s10, s31;
	s7 =	sshrl.u32 s7, $0x3  }
0xd: {  	s13 =	sshrl.u32 s13, $0x3;
	s9 =	sadd.s32 s9, s6;
	s11 =	sadd.s32 s7, s6  }
0xe: {  	s6 =	sadd.s32 $0x16A00, s9;
	s7 =	sadd.s32 $0x2600, s9;
	s8 =	sadd.s32 $0x48800, s11  }
0xf: {  	s9 =	smax.u32 s10, $0x1;
	s10 =	simm.s32 $0x5;
	s11 =	simm.s32 $0x2730  }
.LBB2_4:
0x10: {  	_ =	swait.ge [sflag:s22], $0x2C00  }
0x11: {  	s23 =	sadd.s32 $0x1, s23;
	[sflag:s22] =	ssyncset.done $0x0  }
0x12: {  	p0 =	sne.s32 s23, s9;
	[sflag:s22] =	ssyncadd.s32 $0xFFFFD400  }
.Ltmp1:
0x13: {  	[bflag:$0x0] =	sbarrier.arrive $0xFFFF;
	(pc) =	sbr.rel @!p0 .LBB2_5-.Ltmp1, $4  }
0x14: {  	[hbm:s8], [sflag:s12] =	dma.local [spmem:s13], $0x2800  }
0x15: {  	_ =	swait.ge [sflag:s10], $0x2800  }
0x16: {  	[sflag:s10] =	ssyncset.done $0x0  }
0x17: {  	[sflag:s10] =	ssyncadd.s32 $0xFFFFD800  }
.LBB2_1:
0x18: {  	[tilespmem:s3], [sflag:$0x5] =	stream.linear.gather [hbm4b:s6+s3], $0x2730, $0x38;
	[tilespmem:$0x1E660] =	vst v63  }
0x19: {  	_ =	swait.ge [sflag:s10], $0x2730  }
0x1a: {  	[sflag:s10] =	ssyncset.done $0x0  }
0x1b: {  	[sflag:s10] =	ssyncadd.s32 $0xFFFFD8D0  }
0x1c: {  	[tilespmem:s11], [sflag:$0x5] =	stream.linear.gather [hbm4b:s7+s3], $0x2730, $0x38;
	[tilespmem:$0x1E660] =	vst v63  }
0x1d: {  	_ =	swait.ge [sflag:s10], $0x2730  }
0x1e: {  	[sflag:s10] =	ssyncset.done $0x0  }
0x1f: {  	[sflag:s10] =	ssyncadd.s32 $0xFFFFD8D0  }
0x20: {  	[spmem:s13], [sflag:s12] =	dma.local [hbm:s5], $0x2800  }
0x21: {  	_ =	swait.ge [sflag:s10], $0x2800  }
0x22: {  	[sflag:s10] =	ssyncset.done $0x0  }
0x23: {  	[sflag:s10] =	ssyncadd.s32 $0xFFFFD800  }
0x24: {  	[bflag:$0x0] =	sbarrier.arrive $0xFFFF  }
0x25: {  	[tilespmem:s15], [sflag:$0x1] =	stream.indirect.gather [hbm4b:s4+s14], $0x80, s3, s14, $0xb8;
	[tilespmem:$0x1E660] =	vst v63  }
0x26: {  	_ =	swait.ge [sflag:s16], $0x2C00  }
0x27: {  	[sflag:s16] =	ssyncset.done $0x0  }
0x28: {  	[sflag:s16] =	ssyncadd.s32 $0xFFFFD400  }
0x29: {  	[spmem:s2] =	stream.indirect.scatter.add.f32 [tilespmem:s15], [sflag:$0x3], $0x80, s11, s14, $0xb8;
	[tilespmem:$0x1E660] =	vst v63  }
0x2a: {  	_ = 	snop  }
0x2b: {  	[tilespmem:s17], [sflag:$0x2] =	stream.indirect.gather [hbm4b:s4+s14], $0x80, s14, s14, $0xb8;
	[tilespmem:$0x1E660] =	vst v63  }
0x2c: {  	_ =	swait.ge [sflag:s18], $0x2C00  }
0x2d: {  	[sflag:s18] =	ssyncset.done $0x0  }
0x2e: {  	[sflag:s18] =	ssyncadd.s32 $0xFFFFD400  }
0x2f: {  	[spmem:s2] =	stream.indirect.scatter.add.f32 [tilespmem:s17], [sflag:$0x4], $0x80, s19, s14, $0xb8;
	[tilespmem:$0x1E660] =	vst v63  }
0x30: {  	_ =	swait.ge [sflag:s20], $0x2C00  }
0x31: {  	[sflag:s20] =	ssyncset.done $0x0  }
0x32: {  	s24 =	simm.s32 $0xFFFF68C0;
	[sflag:s20] =	ssyncadd.s32 $0xFFFFD400  }
0x33: {  	[tilespmem:s15], [sflag:$0x1] =	stream.indirect.gather [hbm4b:s4+s14], $0x80, s21, s14, $0xb8;
	[tilespmem:$0x1E660] =	vst v63  }
.LBB2_2:
0x34: {  	_ =	swait.ge [sflag:s16], $0x2C00  }
0x35: {  	s25 =	sshra.s32 s24, $0x2;
	[sflag:s16] =	ssyncset.done $0x0  }
0x36: {  	s26 =	sadd.s32 $0x4DB0, s25;
	[sflag:s16] =	ssyncadd.s32 $0xFFFFD400  }
0x37: {  	[spmem:s2] =	stream.indirect.scatter.add.f32 [tilespmem:s15], [sflag:$0x3], $0x80, s26, s14, $0xb8;
	[tilespmem:$0x1E660] =	vst v63  }
0x38: {  	_ =	swait.ge [sflag:s22], $0x2C00  }
0x39: {  	[sflag:s22] =	ssyncset.done $0x0  }
0x3a: {  	s30 =	sadd.s32 $0x26D8, s25;
	[sflag:s22] =	ssyncadd.s32 $0xFFFFD400  }
0x3b: {  	[tilespmem:s17], [sflag:$0x2] =	stream.indirect.gather [hbm4b:s4+s14], $0x80, s30, s14, $0xb8;
	[tilespmem:$0x1E660] =	vst v63  }
0x3c: {  	_ =	swait.ge [sflag:s18], $0x2C00  }
0x3d: {  	p0 =	seq.s32 s24, $0x0;
	[sflag:s18] =	ssyncset.done $0x0  }
.Ltmp2:
0x3e: {  	s31 =	sadd.s32 $0x4E08, s25;
	[sflag:s18] =	ssyncadd.s32 $0xFFFFD400;
	(pc) =	sbr.rel @p0 .LBB2_4-.Ltmp2, $4  }
0x3f: {  	[spmem:s2] =	stream.indirect.scatter.add.f32 [tilespmem:s17], [sflag:$0x4], $0x80, s31, s14, $0xb8;
	[tilespmem:$0x1E660] =	vst v63  }
0x40: {  	_ =	swait.ge [sflag:s20], $0x2C00  }
0x41: {  	[sflag:s20] =	ssyncset.done $0x0  }
0x42: {  	[sflag:s20] =	ssyncadd.s32 $0xFFFFD400  }
.Ltmp3:
0x43: {  	(pc) =	sbr.rel .LBB2_2-.Ltmp3, $3  }
0x44: {  	_ =	sdelay $0x1  }
0x45: {  	s25 =	sadd.s32 $0x2730, s25;
	s24 =	sadd.s32 $0x2C0, s24  }
0x46: {  	[tilespmem:s15], [sflag:$0x1] =	stream.indirect.gather [hbm4b:s4+s14], $0x80, s25, s14, $0xb8;
	[tilespmem:$0x1E660] =	vst v63  }
.LBB2_5:
0x47: {  	_ =	sfence.sel $0x180000  }
0x48: {  	[bflag:$0x0] =	sbarrier.arrive $0xFFFF  }
0x49: {  	p0 =	sne.s32 s1, $0x0;
	_ =	strace $0x9000004A  }
0x4a: {  	s0 =	sadd.s32 @!p0 $0x100000, s0;
	[bflag:$0x2] =	sbarrier.arrive $0xFFFF  }
0x4b: {  	[sflag:s0] =	ssyncadd.tile.s32 @!p0 $0x1;
	_ =	shalt  }
.Lfunc_end2:
_tile_overlayer_lowered:
.L_overlay_start_2:
0x4c: {  	(tag) =	ssettag $0x2  }
0x4d: {  	s0 =	rddreg [dreg:$0x0];
	s2 =	stileid.u32  }
0x4e: {  	s1 =	rddreg [dreg:$0x1];
	p0 =	sne.s32 s2, $0x0  }
0x4f: {  	s3 =	rddreg [dreg:$0x2];
	[bflag:$0x3] =	sbarrier.arrive $0xFFFF;
	s2 =	simm.s32 @!p0 $0x1C05  }
0x50: {  	[timem:s3], [sflag:s2] =	dma.local @!p0 [hbm:s0], s1  }
0x51: {  	s0 =	simm.s32 @!p0 $0x5  }
0x52: {  	_ =	swait.ge @!p0 [sflag:s0], s1  }
0x53: {  	s1 =	ssub.s32 @!p0 $0x0, s1;
	[sflag:s0] =	ssyncset.done @!p0 $0x0  }
0x54: {  	[sflag:s0] =	ssyncadd.s32 @!p0 s1  }
0x55: {  	[bflag:$0x3] =	sbarrier.arrive $0xFFFF  }
0x56: {  	_ =	shalt  }

// kernel: kernel.14.cloned.1.call-start
scs
__scs_entry_jumppad:
0x0: {  	(pc) =	sbr.rel $0x88, $3  }
0x1: {  	(tag) =	ssettag $0x0;
	lr =	simm.s32 $0x1  }
0x2: {  	[smem:$0x3F99] =	sst lr;
	_ =	strace $0xD0000000  }
0x3: {  	_ = 	snop  }
0x4: {  	_ = 	snop  }
0x5: {  	_ = 	snop  }
0x6: {  	_ = 	snop  }
0x7: {  	_ = 	snop  }
__scs_overlays_trampoline_lowered:
0x8: {  	[smem:$0x3FA8] =	sst s0  }
0x9: {  	[smem:$0x3FA9] =	sst s1  }
0xa: {  	[smem:$0x3FAA] =	sst s2  }
0xb: {  	[smem:$0x3FAB] =	sst s3  }
0xc: {  	[smem:$0x3FAC] =	sst s4  }
0xd: {  	[smem:$0x3FAD] =	sst s5  }
0xe: {  	[smem:$0x3FAE] =	sst s6  }
0xf: {  	[smem:$0x3FAF] =	sst s7  }
0x10: {  	[smem:$0x3FB0] =	sst s8  }
0x11: {  	[smem:$0x3FB1] =	sst s9;
	s0 =	simm.s32 @!p0 $0x0  }
0x12: {  	s1 =	sld [smem:$0x3F97];
	s0 =	simm.s32 @p0 $0x1  }
0x13: {  	[smem:$0x3FB2] =	sst s0;
	s0 =	simm.s32 @!p1 $0x0  }
0x14: {  	s2 =	sld [smem:$0x3F96];
	s0 =	simm.s32 @p1 $0x1  }
0x15: {  	[smem:$0x3FB3] =	sst s0;
	s0 =	simm.s32 @!p2 $0x0  }
0x16: {  	s3 =	sld [smem:$0x3FDB];
	s0 =	simm.s32 @p2 $0x1  }
0x17: {  	s4 =	simm.s32 $0x1BF5;
	[smem:$0x3FB5] =	sst s0  }
0x18: {  	s0 =	sld [smem:$0x3F98];
	_ =	swait.ge [sflag:s4], $0x0  }
0x19: {  	s7 =	sld [smem:$0x3F99]  }
0x1a: {  	s8 =	sadd.s32 $0xFFFFE003, lr  }
0x1b: {  	s9 =	sadd.s32 $0xFFFFFEF7, lr;
	s5 =	simm.s32 $0xFFFFFFFF;
	p2 =	slt.u32 s8, $0xFFFFF086  }
0x1c: {  	p1 =	slt.u32 s9, $0xF7A;
	s5 =	simm.s32 @!p2 $0x0  }
0x1d: {  	s5 =	simm.s32 @p1 $0x1;
	p0 =	seq.s32 s7, s2  }
0x1e: {  	s7 =	smul.u32 @!p0 $0xF7A, s2;
	p2 =	seq.s32 @!p0 s5, $0x0  }
0x1f: {  	s9 =	smul.u32 $0xF7A, s1;
	s8 =	simm.s32 @!p0 $0x1BF5;
	p2 =	por !p2, p0  }
0x20: {  	[sflag:s8] =	ssyncset.s32 @!p0 $0xFFFFF086;
	s6 =	sadd.s32 @!p0 s3, s7;
	s7 =	simm.s32 @!p0 $0x108  }
0x21: {  	s3 =	sadd.s32 s3, s9;
	s6 =	sadd.s32 @!p0 $0x88, s6;
	s7 =	simm.s32 @p2 $0x1082  }
0x22: {  	[simem:s7], [sflag:s8] =	dma.local @!p0 [hbm:s6], $0xF7A  }
0x23: {  	s9 =	sor.u32 $0xD0000000, s2;
	s6 =	simm.s32 $0x108;
	_ =	swait.ge @!p0 [sflag:s8], $0x0  }
0x24: {  	s3 =	sadd.s32 $0x88, s3;
	s6 =	simm.s32 @!p1 $0x1082;
	[sflag:s4] =	ssyncset.s32 $0xFFFFF086  }
0x25: {  	[simem:s6], [sflag:s4] =	dma.local [hbm:s3], $0xF7A  }
0x26: {  	[smem:$0x3F99] =	sst s1;
	(tag) =	ssettag s2;
	_ =	strace s9  }
0x27: {  	s1 =	sld [smem:$0x3FA9]  }
0x28: {  	s2 =	sld [smem:$0x3FAA]  }
0x29: {  	s4 =	sld [smem:$0x3FAC]  }
0x2a: {  	p0 =	seq.s32 s5, $0x0;
	s5 =	sld [smem:$0x3FAD]  }
0x2b: {  	s6 =	sld [smem:$0x3FAE]  }
0x2c: {  	s7 =	sld [smem:$0x3FAF]  }
0x2d: {  	s3 =	simm.s32 $0x108;
	s8 =	sld [smem:$0x3FB0]  }
0x2e: {  	s3 =	simm.s32 @!p0 $0x1082;
	s9 =	sld [smem:$0x3FB1]  }
0x2f: {  	lr =	sadd.s32 s0, s3;
	s0 =	sld [smem:$0x3FA8]  }
0x30: {  	s3 =	sld [smem:$0x3FAB]  }
0x31: {  	[smem:$0x3FB4] =	sst s10  }
0x32: {  	s10 =	sld [smem:$0x3FB2];
	_ =	sdelay $0x3  }
0x33: {  	p0 =	seq.s32 s10, $0x1;
	s10 =	sld [smem:$0x3FB4];
	_ =	sdelay $0x3  }
0x34: {  	[smem:$0x3FB4] =	sst s10  }
0x35: {  	s10 =	sld [smem:$0x3FB3];
	_ =	sdelay $0x3  }
0x36: {  	p1 =	seq.s32 s10, $0x1;
	s10 =	sld [smem:$0x3FB4];
	_ =	sdelay $0x3  }
0x37: {  	[smem:$0x3FB4] =	sst s10  }
0x38: {  	s10 =	sld [smem:$0x3FB5]  }
0x39: {  	_ = 	snop;
	(pc) =	sbr.ind lr, $3  }
0x3a: {  	_ = 	snop  }
0x3b: {  	_ = 	snop  }
0x3c: {  	p2 =	seq.s32 s10, $0x1;
	s10 =	sld [smem:$0x3FB4]  }
0x3d: {  	_ =	shalt  }
0x3e: {  	_ =	shalt  }
0x3f: {  	_ =	shalt  }
0x40: {  	_ =	shalt  }
0x41: {  	_ =	shalt  }
0x42: {  	_ =	shalt  }
0x43: {  	_ =	shalt  }
0x44: {  	_ =	shalt  }
0x45: {  	_ =	shalt  }
0x46: {  	_ =	shalt  }
0x47: {  	_ =	shalt  }
0x48: {  	_ =	shalt  }
0x49: {  	_ =	shalt  }
0x4a: {  	_ =	shalt  }
0x4b: {  	_ =	shalt  }
0x4c: {  	_ =	shalt  }
0x4d: {  	_ =	shalt  }
0x4e: {  	_ =	shalt  }
0x4f: {  	_ =	shalt  }
0x50: {  	_ =	shalt  }
0x51: {  	_ =	shalt  }
0x52: {  	_ =	shalt  }
0x53: {  	_ =	shalt  }
0x54: {  	_ =	shalt  }
0x55: {  	_ =	shalt  }
0x56: {  	_ =	shalt  }
0x57: {  	_ =	shalt  }
0x58: {  	_ =	shalt  }
0x59: {  	_ =	shalt  }
0x5a: {  	_ =	shalt  }
0x5b: {  	_ =	shalt  }
0x5c: {  	_ =	shalt  }
0x5d: {  	_ =	shalt  }
0x5e: {  	_ =	shalt  }
0x5f: {  	_ =	shalt  }
0x60: {  	_ =	shalt  }
0x61: {  	_ =	shalt  }
0x62: {  	_ =	shalt  }
0x63: {  	_ =	shalt  }
0x64: {  	_ =	shalt  }
0x65: {  	_ =	shalt  }
0x66: {  	_ =	shalt  }
0x67: {  	_ =	shalt  }
0x68: {  	_ =	shalt  }
0x69: {  	_ =	shalt  }
0x6a: {  	_ =	shalt  }
0x6b: {  	_ =	shalt  }
0x6c: {  	_ =	shalt  }
0x6d: {  	_ =	shalt  }
0x6e: {  	_ =	shalt  }
0x6f: {  	_ =	shalt  }
0x70: {  	_ =	shalt  }
0x71: {  	_ =	shalt  }
0x72: {  	_ =	shalt  }
0x73: {  	_ =	shalt  }
0x74: {  	_ =	shalt  }
0x75: {  	_ =	shalt  }
0x76: {  	_ =	shalt  }
0x77: {  	_ =	shalt  }
0x78: {  	_ =	shalt  }
0x79: {  	_ =	shalt  }
0x7a: {  	_ =	shalt  }
0x7b: {  	_ =	shalt  }
0x7c: {  	_ =	shalt  }
0x7d: {  	_ =	shalt  }
0x7e: {  	_ =	shalt  }
0x7f: {  	_ =	shalt  }
0x80: {  	_ =	shalt  }
0x81: {  	_ =	shalt  }
0x82: {  	_ =	shalt  }
0x83: {  	_ =	shalt  }
0x84: {  	_ =	shalt  }
0x85: {  	_ =	shalt  }
0x86: {  	_ =	shalt  }
0x87: {  	_ =	shalt  }
.Lfunc_end0:
.L_simem_size_0:
called_computation.2_lowered:
.L_overlay_start_0:
0x88: {  	s2 =	sld [smem:$0x3FD9]  }
0x89: {  	s3 =	sld [smem:$0x3FFE];
	_ =	sdelay $0x1  }
0x8a: {  	s1 =	srdreg.scid  }
0x8b: {  	s0 =	sand.u32 $0x1, s1  }
0x8c: {  	s16 =	sshll.u32 s0, $0xA;
	s2 =	sadd.s32 s3, s2  }
0x8d: {  	s2 =	sadd.s32 s2, s16  }
0x8e: {  	[smem:$0x3FC0] =	sst s2  }
0x8f: {  	_ = 	snop  }
0x90: {  	(tm) =	ssettm $0x1  }
0x91: {  	s17 =	sld [smem:$0x3FFB];
	_ =	sdelay $0x3  }
0x92: {  	_ =	strace s17  }
0x93: {  	s2 =	sld [smem:$0x3FFC];
	_ =	sdelay $0x3  }
0x94: {  	_ =	strace s2  }
0x95: {  	s2 =	sld [smem:$0x3FFD];
	_ =	sdelay $0x3  }
0x96: {  	_ =	strace s2  }
0x97: {  	_ =	strace $0x8FFFFFFF  }
0x98: {  	s18 =	sld [smem:$0x3FDB];
	_ =	sdelay $0x1  }
0x99: {  	s19 =	simm.s32 $_scs_section_size  }
0x9a: {  	s4 =	simm.s32 $_size__tile_overlayer_lowered;
	s5 =	simm.s32 $_tile_overlayer_lowered  }
0x9b: {  	s22 =	simm.s32 $0x1BFF;
	s21 =	sshll.u32 s5, $0x1;
	s2 =	sadd.s32 s19, s18  }
0x9c: {  	s6 =	simm.s32 $0x0;
	s20 =	sshll.u32 s4, $0x1;
	s4 =	sadd.s32 s21, s2  }
0x9d: {  	[timem:s6], [sflag:s22] =	dma.local [hbm:s4], s20  }
0x9e: {  	_ =	swait.ge [sflag:s22], s20  }
0x9f: {  	s3 =	ssub.s32 $0x0, s20;
	[sflag:s22] =	ssyncset.done $0x0  }
0xa0: {  	[sflag:s22] =	ssyncadd.s32 s3;
	_ =	sdelay $0x1  }
0xa1: {  	s23 =	simm.s32 $0x1B8B  }
0xa2: {  	_ =	swait.ge [sflag:s23], $0x1  }
0xa3: {  	[sflag:s23] =	ssyncset.done $0x0  }
0xa4: {  	s25 =	simm.s32 $0x1B8E;
	s24 =	sld [smem:$0x3FFE];
	[sflag:s23] =	ssyncadd.s32 $0xFFFFFFFF  }
0xa5: {  	s26 =	simm.s32 $execute0_lowered;
	[smem:$0x3FD2] =	sst s25  }
0xa6: {  	s4 =	sshll.u32 s26, $0x1;
	_ =	strace $0x8000004C;
	[dreg:$0x1] =	wrdreg $0xFFFFFFFF  }
0xa7: {  	s28 =	simm.s32 $_size_execute0_lowered;
	s2 =	sadd.s32 s2, s4;
	[dreg:$0x0] =	wrdreg $0x0  }
0xa8: {  	s4 =	sshll.u32 s28, $0x1;
	[dreg:$0x2] =	wrdreg s2  }
0xa9: {  	[dreg:$0x3] =	wrdreg s4  }
0xaa: {  	[dreg:$0x4] =	wrdreg $0xC0  }
0xab: {  	_ =	task [dreg:s6], $0x5FFFF  }
0xac: {  	[dreg:$0x1] =	wrdreg $0xFFFFFFFF  }
0xad: {  	[dreg:$0x0] =	wrdreg $0x60  }
0xae: {  	[dreg:$0x2] =	wrdreg s24  }
0xaf: {  	[dreg:$0x3] =	wrdreg $0xA6600  }
0xb0: {  	[dreg:$0x4] =	wrdreg $0x9  }
0xb1: {  	_ =	task.clear_ibuf [dreg:s6], $0x5FFFF;
	_ =	strace $0x9000004C  }
0xb2: {  	s29 =	simm.s32 $0x9;
	_ =	strace $0x8000004E  }
0xb3: {  	_ =	swait.ge [sflag:s29], $0x1  }
0xb4: {  	[sflag:s29] =	ssyncadd.s32 $0xFFFFFFFF  }
0xb5: {  	_ =	strace $0x9000004E  }
0xb6: {  	_ =	sfence  }
0xb7: {  	s30 =	sld [smem:$0x0];
	_ =	sdelay $0x2  }
0xb8: {  	s31 =	sshll.u32 s1, $0xD;
	s1 =	sshrl.u32 s1, $0x2  }
0xb9: {  	s3 =	sand.u32 $0x4000, s31;
	s1 =	sadd.s32 s1, s30  }
0xba: {  	s0 =	sor.u32 s3, s0;
	s1 =	sshll.u32 s1, $0x11  }
0xbb: {  	s0 =	sor.u32 s1, s0  }
0xbc: {  	s0 =	sadd.s32 $0x8F2B, s0  }
0xbd: {  	[sflag:s0] =	ssyncadd.remote.s32 $0x1  }
0xbe: {  	_ =	sfence.sel $0xFFFF  }
0xbf: {  	[dreg:$0x0] =	wrdreg $0xFFFFFFFF;
	(pc) =	sbr.abs _section_cstart, $3  }
0xc0: {  	[dreg:$0x1] =	wrdreg $0xFFFFFFFF  }
0xc1: {  	_ =	task.clear_ibuf [dreg:s6], $0x2FFFF;
	_ =	strace $0x9FFFFFFF  }
0xc2: {  	(tm) =	ssettm $0x7FFFFFFF  }
0xc3: {  	_ =	shalt  }
tec
execute0_lowered:
.L_overlay_start_1:
0x0: {  	(tag) =	ssettag $0x1  }
0x1: {  	s6 =	rddreg [dreg:$0x0];
	s0 =	srdreg.scid  }
0x2: {  	s2 =	rddreg [dreg:$0x1];
	s1 =	stileid.u32;
	s3 =	simm.s32 $0x0  }
0x3: {  	s14 =	simm.s32 $0x58;
	s15 =	simm.s32 $0x4E60;
	s16 =	simm.s32 $0x1  }
0x4: {  	s17 =	simm.s32 $0x7A60;
	s18 =	simm.s32 $0x2;
	s19 =	simm.s32 $0x2788  }
0x5: {  	s20 =	simm.s32 $0x3;
	s21 =	simm.s32 $0xB0;
	s22 =	simm.s32 $0x4  }
0x6: {  	s23 =	simm.s32 $0x0;
	s5 =	sand.u32 $0x1, s0;
	s0 =	rddreg [dreg:$0x2]  }
0x7: {  	s8 =	smul.u32 $0x14000, s1;
	[smem:$0x7FF] =	sst s3;
	s12 =	sshll.u32 s1, $0x6  }
0x8: {  	s4 =	sshll.u32 s5, $0x4;
	s7 =	smul.u32 $0x140000, s5;
	_ =	strace $0x8000004D  }
0x9: {  	s10 =	ssub.s32 $0x2, s5;
	s5 =	sadd.s32 $0xC400, s6;
	s4 =	sor.u32 s1, s4  }
0xa: {  	s12 =	sor.u32 $0x1C05, s12;
	s31 =	sshrl.u32 s10, $0x1;
	s9 =	smul.u32 $0x4E6, s4  }
.Ltmp0:
0xb: {  	s13 =	sadd.s32 s8, s2;
	s7 =	sadd.s32 s8, s7;
	(pc) =	sbr.rel .LBB2_1-.Ltmp0, $4  }
0xc: {  	s4 =	sadd.s32 $0x20800, s6;
	s10 =	ssub.s32 s10, s31;
	s7 =	sshrl.u32 s7, $0x3  }
0xd: {  	s13 =	sshrl.u32 s13, $0x3;
	s9 =	sadd.s32 s9, s6;
	s11 =	sadd.s32 s7, s6  }
0xe: {  	s6 =	sadd.s32 $0x16A00, s9;
	s7 =	sadd.s32 $0x2600, s9;
	s8 =	sadd.s32 $0x48800, s11  }
0xf: {  	s9 =	smax.u32 s10, $0x1;
	s10 =	simm.s32 $0x5;
	s11 =	simm.s32 $0x2730  }
.LBB2_4:
0x10: {  	_ =	swait.ge [sflag:s22], $0x2C00  }
0x11: {  	s23 =	sadd.s32 $0x1, s23;
	[sflag:s22] =	ssyncset.done $0x0  }
0x12: {  	p0 =	sne.s32 s23, s9;
	[sflag:s22] =	ssyncadd.s32 $0xFFFFD400  }
.Ltmp1:
0x13: {  	[bflag:$0x0] =	sbarrier.arrive $0xFFFF;
	(pc) =	sbr.rel @!p0 .LBB2_5-.Ltmp1, $4  }
0x14: {  	[hbm:s8], [sflag:s12] =	dma.local [spmem:s13], $0x2800  }
0x15: {  	_ =	swait.ge [sflag:s10], $0x2800  }
0x16: {  	[sflag:s10] =	ssyncset.done $0x0  }
0x17: {  	[sflag:s10] =	ssyncadd.s32 $0xFFFFD800  }
.LBB2_1:
0x18: {  	[tilespmem:s3], [sflag:$0x5] =	stream.linear.gather [hbm4b:s6+s3], $0x2730, $0x38;
	[tilespmem:$0x1E660] =	vst v63  }
0x19: {  	_ =	swait.ge [sflag:s10], $0x2730  }
0x1a: {  	[sflag:s10] =	ssyncset.done $0x0  }
0x1b: {  	[sflag:s10] =	ssyncadd.s32 $0xFFFFD8D0  }
0x1c: {  	[tilespmem:s11], [sflag:$0x5] =	stream.linear.gather [hbm4b:s7+s3], $0x2730, $0x38;
	[tilespmem:$0x1E660] =	vst v63  }
0x1d: {  	_ =	swait.ge [sflag:s10], $0x2730  }
0x1e: {  	[sflag:s10] =	ssyncset.done $0x0  }
0x1f: {  	[sflag:s10] =	ssyncadd.s32 $0xFFFFD8D0  }
0x20: {  	[spmem:s13], [sflag:s12] =	dma.local [hbm:s5], $0x2800  }
0x21: {  	_ =	swait.ge [sflag:s10], $0x2800  }
0x22: {  	[sflag:s10] =	ssyncset.done $0x0  }
0x23: {  	[sflag:s10] =	ssyncadd.s32 $0xFFFFD800  }
0x24: {  	[bflag:$0x0] =	sbarrier.arrive $0xFFFF  }
0x25: {  	[tilespmem:s15], [sflag:$0x1] =	stream.indirect.gather [hbm4b:s4+s14], $0x80, s3, s14, $0xb8;
	[tilespmem:$0x1E660] =	vst v63  }
0x26: {  	_ =	swait.ge [sflag:s16], $0x2C00  }
0x27: {  	[sflag:s16] =	ssyncset.done $0x0  }
0x28: {  	[sflag:s16] =	ssyncadd.s32 $0xFFFFD400  }
0x29: {  	[spmem:s2] =	stream.indirect.scatter.add.f32 [tilespmem:s15], [sflag:$0x3], $0x80, s11, s14, $0xb8;
	[tilespmem:$0x1E660] =	vst v63  }
0x2a: {  	_ = 	snop  }
0x2b: {  	[tilespmem:s17], [sflag:$0x2] =	stream.indirect.gather [hbm4b:s4+s14], $0x80, s14, s14, $0xb8;
	[tilespmem:$0x1E660] =	vst v63  }
0x2c: {  	_ =	swait.ge [sflag:s18], $0x2C00  }
0x2d: {  	[sflag:s18] =	ssyncset.done $0x0  }
0x2e: {  	[sflag:s18] =	ssyncadd.s32 $0xFFFFD400  }
0x2f: {  	[spmem:s2] =	stream.indirect.scatter.add.f32 [tilespmem:s17], [sflag:$0x4], $0x80, s19, s14, $0xb8;
	[tilespmem:$0x1E660] =	vst v63  }
0x30: {  	_ =	swait.ge [sflag:s20], $0x2C00  }
0x31: {  	[sflag:s20] =	ssyncset.done $0x0  }
0x32: {  	s24 =	simm.s32 $0xFFFF68C0;
	[sflag:s20] =	ssyncadd.s32 $0xFFFFD400  }
0x33: {  	[tilespmem:s15], [sflag:$0x1] =	stream.indirect.gather [hbm4b:s4+s14], $0x80, s21, s14, $0xb8;
	[tilespmem:$0x1E660] =	vst v63  }
.LBB2_2:
0x34: {  	_ =	swait.ge [sflag:s16], $0x2C00  }
0x35: {  	s25 =	sshra.s32 s24, $0x2;
	[sflag:s16] =	ssyncset.done $0x0  }
0x36: {  	s26 =	sadd.s32 $0x4DB0, s25;
	[sflag:s16] =	ssyncadd.s32 $0xFFFFD400  }
0x37: {  	[spmem:s2] =	stream.indirect.scatter.add.f32 [tilespmem:s15], [sflag:$0x3], $0x80, s26, s14, $0xb8;
	[tilespmem:$0x1E660] =	vst v63  }
0x38: {  	_ =	swait.ge [sflag:s22], $0x2C00  }
0x39: {  	[sflag:s22] =	ssyncset.done $0x0  }
0x3a: {  	s30 =	sadd.s32 $0x26D8, s25;
	[sflag:s22] =	ssyncadd.s32 $0xFFFFD400  }
0x3b: {  	[tilespmem:s17], [sflag:$0x2] =	stream.indirect.gather [hbm4b:s4+s14], $0x80, s30, s14, $0xb8;
	[tilespmem:$0x1E660] =	vst v63  }
0x3c: {  	_ =	swait.ge [sflag:s18], $0x2C00  }
0x3d: {  	p0 =	seq.s32 s24, $0x0;
	[sflag:s18] =	ssyncset.done $0x0  }
.Ltmp2:
0x3e: {  	s31 =	sadd.s32 $0x4E08, s25;
	[sflag:s18] =	ssyncadd.s32 $0xFFFFD400;
	(pc) =	sbr.rel @p0 .LBB2_4-.Ltmp2, $4  }
0x3f: {  	[spmem:s2] =	stream.indirect.scatter.add.f32 [tilespmem:s17], [sflag:$0x4], $0x80, s31, s14, $0xb8;
	[tilespmem:$0x1E660] =	vst v63  }
0x40: {  	_ =	swait.ge [sflag:s20], $0x2C00  }
0x41: {  	[sflag:s20] =	ssyncset.done $0x0  }
0x42: {  	[sflag:s20] =	ssyncadd.s32 $0xFFFFD400  }
.Ltmp3:
0x43: {  	(pc) =	sbr.rel .LBB2_2-.Ltmp3, $3  }
0x44: {  	_ =	sdelay $0x1  }
0x45: {  	s25 =	sadd.s32 $0x2730, s25;
	s24 =	sadd.s32 $0x2C0, s24  }
0x46: {  	[tilespmem:s15], [sflag:$0x1] =	stream.indirect.gather [hbm4b:s4+s14], $0x80, s25, s14, $0xb8;
	[tilespmem:$0x1E660] =	vst v63  }
.LBB2_5:
0x47: {  	_ =	sfence.sel $0x180000  }
0x48: {  	[bflag:$0x0] =	sbarrier.arrive $0xFFFF  }
0x49: {  	p0 =	sne.s32 s1, $0x0;
	_ =	strace $0x9000004D  }
0x4a: {  	s0 =	sadd.s32 @!p0 $0x100000, s0;
	[bflag:$0x2] =	sbarrier.arrive $0xFFFF  }
0x4b: {  	[sflag:s0] =	ssyncadd.tile.s32 @!p0 $0x1;
	_ =	shalt  }
.Lfunc_end2:
_tile_overlayer_lowered:
.L_overlay_start_2:
0x4c: {  	(tag) =	ssettag $0x2  }
0x4d: {  	s0 =	rddreg [dreg:$0x0];
	s2 =	stileid.u32  }
0x4e: {  	s1 =	rddreg [dreg:$0x1];
	p0 =	sne.s32 s2, $0x0  }
0x4f: {  	s3 =	rddreg [dreg:$0x2];
	[bflag:$0x3] =	sbarrier.arrive $0xFFFF;
	s2 =	simm.s32 @!p0 $0x1C05  }
0x50: {  	[timem:s3], [sflag:s2] =	dma.local @!p0 [hbm:s0], s1  }
0x51: {  	s0 =	simm.s32 @!p0 $0x5  }
0x52: {  	_ =	swait.ge @!p0 [sflag:s0], s1  }
0x53: {  	s1 =	ssub.s32 @!p0 $0x0, s1;
	[sflag:s0] =	ssyncset.done @!p0 $0x0  }
0x54: {  	[sflag:s0] =	ssyncadd.s32 @!p0 s1  }
0x55: {  	[bflag:$0x3] =	sbarrier.arrive $0xFFFF  }
0x56: {  	_ =	shalt  }

// kernel: kernel.8.cloned.1.call-start
scs
__scs_entry_jumppad:
0x0: {  	(pc) =	sbr.rel $0x88, $3  }
0x1: {  	(tag) =	ssettag $0x0;
	lr =	simm.s32 $0x1  }
0x2: {  	[smem:$0x3F99] =	sst lr;
	_ =	strace $0xD0000000  }
0x3: {  	_ = 	snop  }
0x4: {  	_ = 	snop  }
0x5: {  	_ = 	snop  }
0x6: {  	_ = 	snop  }
0x7: {  	_ = 	snop  }
__scs_overlays_trampoline_lowered:
0x8: {  	[smem:$0x3FA8] =	sst s0  }
0x9: {  	[smem:$0x3FA9] =	sst s1  }
0xa: {  	[smem:$0x3FAA] =	sst s2  }
0xb: {  	[smem:$0x3FAB] =	sst s3  }
0xc: {  	[smem:$0x3FAC] =	sst s4  }
0xd: {  	[smem:$0x3FAD] =	sst s5  }
0xe: {  	[smem:$0x3FAE] =	sst s6  }
0xf: {  	[smem:$0x3FAF] =	sst s7  }
0x10: {  	[smem:$0x3FB0] =	sst s8  }
0x11: {  	[smem:$0x3FB1] =	sst s9;
	s0 =	simm.s32 @!p0 $0x0  }
0x12: {  	s1 =	sld [smem:$0x3F97];
	s0 =	simm.s32 @p0 $0x1  }
0x13: {  	[smem:$0x3FB2] =	sst s0;
	s0 =	simm.s32 @!p1 $0x0  }
0x14: {  	s2 =	sld [smem:$0x3F96];
	s0 =	simm.s32 @p1 $0x1  }
0x15: {  	[smem:$0x3FB3] =	sst s0;
	s0 =	simm.s32 @!p2 $0x0  }
0x16: {  	s3 =	sld [smem:$0x3FDB];
	s0 =	simm.s32 @p2 $0x1  }
0x17: {  	s4 =	simm.s32 $0x1BF5;
	[smem:$0x3FB5] =	sst s0  }
0x18: {  	s0 =	sld [smem:$0x3F98];
	_ =	swait.ge [sflag:s4], $0x0  }
0x19: {  	s7 =	sld [smem:$0x3F99]  }
0x1a: {  	s8 =	sadd.s32 $0xFFFFE003, lr  }
0x1b: {  	s9 =	sadd.s32 $0xFFFFFEF7, lr;
	s5 =	simm.s32 $0xFFFFFFFF;
	p2 =	slt.u32 s8, $0xFFFFF086  }
0x1c: {  	p1 =	slt.u32 s9, $0xF7A;
	s5 =	simm.s32 @!p2 $0x0  }
0x1d: {  	s5 =	simm.s32 @p1 $0x1;
	p0 =	seq.s32 s7, s2  }
0x1e: {  	s7 =	smul.u32 @!p0 $0xF7A, s2;
	p2 =	seq.s32 @!p0 s5, $0x0  }
0x1f: {  	s9 =	smul.u32 $0xF7A, s1;
	s8 =	simm.s32 @!p0 $0x1BF5;
	p2 =	por !p2, p0  }
0x20: {  	[sflag:s8] =	ssyncset.s32 @!p0 $0xFFFFF086;
	s6 =	sadd.s32 @!p0 s3, s7;
	s7 =	simm.s32 @!p0 $0x108  }
0x21: {  	s3 =	sadd.s32 s3, s9;
	s6 =	sadd.s32 @!p0 $0x88, s6;
	s7 =	simm.s32 @p2 $0x1082  }
0x22: {  	[simem:s7], [sflag:s8] =	dma.local @!p0 [hbm:s6], $0xF7A  }
0x23: {  	s9 =	sor.u32 $0xD0000000, s2;
	s6 =	simm.s32 $0x108;
	_ =	swait.ge @!p0 [sflag:s8], $0x0  }
0x24: {  	s3 =	sadd.s32 $0x88, s3;
	s6 =	simm.s32 @!p1 $0x1082;
	[sflag:s4] =	ssyncset.s32 $0xFFFFF086  }
0x25: {  	[simem:s6], [sflag:s4] =	dma.local [hbm:s3], $0xF7A  }
0x26: {  	[smem:$0x3F99] =	sst s1;
	(tag) =	ssettag s2;
	_ =	strace s9  }
0x27: {  	s1 =	sld [smem:$0x3FA9]  }
0x28: {  	s2 =	sld [smem:$0x3FAA]  }
0x29: {  	s4 =	sld [smem:$0x3FAC]  }
0x2a: {  	p0 =	seq.s32 s5, $0x0;
	s5 =	sld [smem:$0x3FAD]  }
0x2b: {  	s6 =	sld [smem:$0x3FAE]  }
0x2c: {  	s7 =	sld [smem:$0x3FAF]  }
0x2d: {  	s3 =	simm.s32 $0x108;
	s8 =	sld [smem:$0x3FB0]  }
0x2e: {  	s3 =	simm.s32 @!p0 $0x1082;
	s9 =	sld [smem:$0x3FB1]  }
0x2f: {  	lr =	sadd.s32 s0, s3;
	s0 =	sld [smem:$0x3FA8]  }
0x30: {  	s3 =	sld [smem:$0x3FAB]  }
0x31: {  	[smem:$0x3FB4] =	sst s10  }
0x32: {  	s10 =	sld [smem:$0x3FB2];
	_ =	sdelay $0x3  }
0x33: {  	p0 =	seq.s32 s10, $0x1;
	s10 =	sld [smem:$0x3FB4];
	_ =	sdelay $0x3  }
0x34: {  	[smem:$0x3FB4] =	sst s10  }
0x35: {  	s10 =	sld [smem:$0x3FB3];
	_ =	sdelay $0x3  }
0x36: {  	p1 =	seq.s32 s10, $0x1;
	s10 =	sld [smem:$0x3FB4];
	_ =	sdelay $0x3  }
0x37: {  	[smem:$0x3FB4] =	sst s10  }
0x38: {  	s10 =	sld [smem:$0x3FB5]  }
0x39: {  	_ = 	snop;
	(pc) =	sbr.ind lr, $3  }
0x3a: {  	_ = 	snop  }
0x3b: {  	_ = 	snop  }
0x3c: {  	p2 =	seq.s32 s10, $0x1;
	s10 =	sld [smem:$0x3FB4]  }
0x3d: {  	_ =	shalt  }
0x3e: {  	_ =	shalt  }
0x3f: {  	_ =	shalt  }
0x40: {  	_ =	shalt  }
0x41: {  	_ =	shalt  }
0x42: {  	_ =	shalt  }
0x43: {  	_ =	shalt  }
0x44: {  	_ =	shalt  }
0x45: {  	_ =	shalt  }
0x46: {  	_ =	shalt  }
0x47: {  	_ =	shalt  }
0x48: {  	_ =	shalt  }
0x49: {  	_ =	shalt  }
0x4a: {  	_ =	shalt  }
0x4b: {  	_ =	shalt  }
0x4c: {  	_ =	shalt  }
0x4d: {  	_ =	shalt  }
0x4e: {  	_ =	shalt  }
0x4f: {  	_ =	shalt  }
0x50: {  	_ =	shalt  }
0x51: {  	_ =	shalt  }
0x52: {  	_ =	shalt  }
0x53: {  	_ =	shalt  }
0x54: {  	_ =	shalt  }
0x55: {  	_ =	shalt  }
0x56: {  	_ =	shalt  }
0x57: {  	_ =	shalt  }
0x58: {  	_ =	shalt  }
0x59: {  	_ =	shalt  }
0x5a: {  	_ =	shalt  }
0x5b: {  	_ =	shalt  }
0x5c: {  	_ =	shalt  }
0x5d: {  	_ =	shalt  }
0x5e: {  	_ =	shalt  }
0x5f: {  	_ =	shalt  }
0x60: {  	_ =	shalt  }
0x61: {  	_ =	shalt  }
0x62: {  	_ =	shalt  }
0x63: {  	_ =	shalt  }
0x64: {  	_ =	shalt  }
0x65: {  	_ =	shalt  }
0x66: {  	_ =	shalt  }
0x67: {  	_ =	shalt  }
0x68: {  	_ =	shalt  }
0x69: {  	_ =	shalt  }
0x6a: {  	_ =	shalt  }
0x6b: {  	_ =	shalt  }
0x6c: {  	_ =	shalt  }
0x6d: {  	_ =	shalt  }
0x6e: {  	_ =	shalt  }
0x6f: {  	_ =	shalt  }
0x70: {  	_ =	shalt  }
0x71: {  	_ =	shalt  }
0x72: {  	_ =	shalt  }
0x73: {  	_ =	shalt  }
0x74: {  	_ =	shalt  }
0x75: {  	_ =	shalt  }
0x76: {  	_ =	shalt  }
0x77: {  	_ =	shalt  }
0x78: {  	_ =	shalt  }
0x79: {  	_ =	shalt  }
0x7a: {  	_ =	shalt  }
0x7b: {  	_ =	shalt  }
0x7c: {  	_ =	shalt  }
0x7d: {  	_ =	shalt  }
0x7e: {  	_ =	shalt  }
0x7f: {  	_ =	shalt  }
0x80: {  	_ =	shalt  }
0x81: {  	_ =	shalt  }
0x82: {  	_ =	shalt  }
0x83: {  	_ =	shalt  }
0x84: {  	_ =	shalt  }
0x85: {  	_ =	shalt  }
0x86: {  	_ =	shalt  }
0x87: {  	_ =	shalt  }
.Lfunc_end0:
.L_simem_size_0:
called_computation_lowered:
.L_overlay_start_0:
0x88: {  	s2 =	sld [smem:$0x3FD9]  }
0x89: {  	s3 =	sld [smem:$0x3FFE];
	_ =	sdelay $0x1  }
0x8a: {  	s1 =	srdreg.scid  }
0x8b: {  	s0 =	sand.u32 $0x1, s1  }
0x8c: {  	s17 =	sshll.u32 s0, $0xA;
	s2 =	sadd.s32 s3, s2  }
0x8d: {  	s2 =	sadd.s32 s2, s17  }
0x8e: {  	[smem:$0x3FC0] =	sst s2  }
0x8f: {  	_ = 	snop  }
0x90: {  	s2 =	sld [smem:$0x3FD0];
	(tm) =	ssettm $0x1  }
0x91: {  	s18 =	sld [smem:$0x3FFB];
	_ =	sdelay $0x3  }
0x92: {  	_ =	strace s18  }
0x93: {  	s3 =	sld [smem:$0x3FFC];
	_ =	sdelay $0x3  }
0x94: {  	_ =	strace s3  }
0x95: {  	s3 =	sld [smem:$0x3FFD];
	_ =	sdelay $0x3  }
0x96: {  	_ =	strace s3  }
0x97: {  	_ =	strace $0x8FFFFFFF  }
0x98: {  	s19 =	sld [smem:$0x3FDB];
	_ =	sdelay $0x1  }
0x99: {  	s4 =	simm.s32 $_scs_section_size  }
0x9a: {  	s5 =	simm.s32 $_size__tile_overlayer_lowered;
	s6 =	simm.s32 $_tile_overlayer_lowered  }
0x9b: {  	s22 =	simm.s32 $0x1BFF;
	s21 =	sshll.u32 s6, $0x1;
	s3 =	sadd.s32 s4, s19  }
0x9c: {  	s7 =	simm.s32 $0x0;
	s20 =	sshll.u32 s5, $0x1;
	s5 =	sadd.s32 s21, s3  }
0x9d: {  	[timem:s7], [sflag:s22] =	dma.local [hbm:s5], s20  }
0x9e: {  	_ =	swait.ge [sflag:s22], s20  }
0x9f: {  	s4 =	ssub.s32 $0x0, s20;
	[sflag:s22] =	ssyncset.done $0x0  }
0xa0: {  	[sflag:s22] =	ssyncadd.s32 s4;
	_ =	sdelay $0x1  }
0xa1: {  	s23 =	simm.s32 $0x1B8B  }
0xa2: {  	_ =	swait.ge [sflag:s23], $0x1  }
0xa3: {  	[sflag:s23] =	ssyncset.done $0x0  }
0xa4: {  	s25 =	simm.s32 $0x1B8E;
	s24 =	sld [smem:$0x3FFE];
	[sflag:s23] =	ssyncadd.s32 $0xFFFFFFFF  }
0xa5: {  	s26 =	simm.s32 $execute0_lowered;
	[smem:$0x3FD2] =	sst s25  }
0xa6: {  	s5 =	sshll.u32 s26, $0x1;
	_ =	strace $0x80000046;
	[dreg:$0x1] =	wrdreg $0xFFFFFFFF  }
0xa7: {  	s28 =	simm.s32 $_size_execute0_lowered;
	s3 =	sadd.s32 s3, s5;
	[dreg:$0x0] =	wrdreg $0x0  }
0xa8: {  	s5 =	sshll.u32 s28, $0x1;
	[dreg:$0x2] =	wrdreg s3  }
0xa9: {  	[dreg:$0x3] =	wrdreg s5  }
0xaa: {  	[dreg:$0x4] =	wrdreg $0xC0  }
0xab: {  	_ =	task [dreg:s7], $0x5FFFF  }
0xac: {  	[dreg:$0x1] =	wrdreg $0xFFFFFFFF  }
0xad: {  	[dreg:$0x0] =	wrdreg $0x60  }
0xae: {  	[dreg:$0x2] =	wrdreg s24  }
0xaf: {  	[dreg:$0x3] =	wrdreg s2  }
0xb0: {  	[dreg:$0x4] =	wrdreg $0x2CB00  }
0xb1: {  	[dreg:$0x5] =	wrdreg $0x9  }
0xb2: {  	_ =	task.clear_ibuf [dreg:s7], $0x6FFFF;
	_ =	strace $0x90000046  }
0xb3: {  	s29 =	simm.s32 $0x9;
	_ =	strace $0x80000048  }
0xb4: {  	_ =	swait.ge [sflag:s29], $0x1  }
0xb5: {  	[sflag:s29] =	ssyncadd.s32 $0xFFFFFFFF  }
0xb6: {  	_ =	strace $0x90000048  }
0xb7: {  	_ =	sfence  }
0xb8: {  	s30 =	sld [smem:$0x0];
	_ =	sdelay $0x2  }
0xb9: {  	s31 =	sshll.u32 s1, $0xD;
	s1 =	sshrl.u32 s1, $0x2  }
0xba: {  	s3 =	sand.u32 $0x4000, s31;
	s1 =	sadd.s32 s1, s30  }
0xbb: {  	s0 =	sor.u32 s3, s0;
	s1 =	sshll.u32 s1, $0x11  }
0xbc: {  	s0 =	sor.u32 s1, s0  }
0xbd: {  	s0 =	sadd.s32 $0x8F2B, s0  }
0xbe: {  	[sflag:s0] =	ssyncadd.remote.s32 $0x1  }
0xbf: {  	_ =	sfence.sel $0xFFFF  }
0xc0: {  	[dreg:$0x0] =	wrdreg $0xFFFFFFFF;
	(pc) =	sbr.abs _section_cstart, $3  }
0xc1: {  	[dreg:$0x1] =	wrdreg $0xFFFFFFFF  }
0xc2: {  	_ =	task.clear_ibuf [dreg:s7], $0x2FFFF;
	_ =	strace $0x9FFFFFFF  }
0xc3: {  	(tm) =	ssettm $0x7FFFFFFF  }
tec
execute0_lowered:
.L_overlay_start_1:
0x0: {  	(tag) =	ssettag $0x1  }
0x1: {  	s6 =	rddreg [dreg:$0x0]  }
0x2: {  	s2 =	rddreg [dreg:$0x1];
	s0 =	srdreg.scid  }
0x3: {  	s3 =	rddreg [dreg:$0x2];
	s1 =	stileid.u32  }
0x4: {  	s4 =	simm.s32 $0x0;
	s13 =	simm.s32 $0x58;
	s14 =	simm.s32 $0x1  }
0x5: {  	s15 =	simm.s32 $0x0;
	s5 =	sand.u32 $0x1, s0;
	s0 =	rddreg [dreg:$0x3]  }
0x6: {  	s8 =	smul.u32 $0x2800, s1;
	[smem:$0x7FF] =	sst s4;
	s31 =	sshll.u32 s1, $0x6  }
0x7: {  	s7 =	sshll.u32 s5, $0x4;
	s9 =	smul.u32 $0x28000, s5;
	_ =	strace $0x80000047  }
0x8: {  	s10 =	ssub.s32 $0x2, s5;
	s5 =	sadd.s32 $0xC400, s6;
	s7 =	sor.u32 s1, s7  }
0x9: {  	s11 =	sshrl.u32 s10, $0x1;
	s12 =	sadd.s32 s8, s3;
	s7 =	smul.u32 $0x4E6, s7  }
0xa: {  	s9 =	sadd.s32 s8, s9;
	s10 =	ssub.s32 s10, s11;
	s11 =	sor.u32 $0x1C02, s31  }
0xb: {  	s12 =	sshrl.u32 s12, $0x3;
	s9 =	sshrl.u32 s9, $0x3;
	s8 =	smax.u32 s10, $0x1  }
0xc: {  	s10 =	simm.s32 $0x2730;
	s7 =	sadd.s32 s7, s6;
	s9 =	sadd.s32 s9, s6  }
0xd: {  	s6 =	sadd.s32 $0x2600, s7;
	s7 =	sadd.s32 $0xCA00, s9;
	s9 =	simm.s32 $0x2  }
.LBB2_1:
0xe: {  	[tilespmem:s4], [sflag:$0x2] =	stream.linear.gather [hbm4b:s6+s4], $0x2730, $0x38;
	[tilespmem:$0x54B0] =	vst v63  }
0xf: {  	_ =	swait.ge [sflag:s9], $0x2730  }
0x10: {  	[sflag:s9] =	ssyncset.done $0x0  }
0x11: {  	[sflag:s9] =	ssyncadd.s32 $0xFFFFD8D0  }
0x12: {  	[tilespmem:s10], [sflag:$0x2] =	stream.linear.gather [hbm4b:s2+s4], $0x580, $0x38;
	[tilespmem:$0x54B0] =	vst v63  }
0x13: {  	_ =	swait.ge [sflag:s9], $0x580  }
0x14: {  	[sflag:s9] =	ssyncset.done $0x0  }
0x15: {  	[sflag:s9] =	ssyncadd.s32 $0xFFFFFA80  }
0x16: {  	[spmem:s12], [sflag:s11] =	dma.local [hbm:s5], $0x500  }
0x17: {  	_ =	swait.ge [sflag:s9], $0x500  }
0x18: {  	[sflag:s9] =	ssyncset.done $0x0  }
0x19: {  	[sflag:s9] =	ssyncadd.s32 $0xFFFFFB00  }
0x1a: {  	[bflag:$0x0] =	sbarrier.arrive $0xFFFF  }
0x1b: {  	[spmem:s3] =	stream.indirect.scatter.add.f32 [tilespmem:s10], [sflag:$0x1], $0x10, s4, s13, $0xb8;
	[tilespmem:$0x54B0] =	vst v63  }
0x1c: {  	s16 =	simm.s32 $0x58  }
0x1d: {  	[spmem:s3] =	stream.indirect.scatter.add.f32 [tilespmem:s10], [sflag:$0x1], $0x10, s16, s13, $0xb8;
	[tilespmem:$0x54B0] =	vst v63  }
0x1e: {  	_ =	swait.ge [sflag:s14], $0x580  }
0x1f: {  	s16 =	simm.s32 $0x2C0;
	[sflag:s14] =	ssyncset.done $0x0  }
.LBB2_2:
0x20: {  	s17 =	sshra.s32 s16, $0x2;
	[sflag:s14] =	ssyncadd.s32 $0xFFFFFA80;
	p0 =	sne.s32 s16, $0x9B60  }
0x21: {  	[spmem:s3] =	stream.indirect.scatter.add.f32 [tilespmem:s10], [sflag:$0x1], $0x10, s17, s13, $0xb8;
	[tilespmem:$0x54B0] =	vst v63  }
.Ltmp0:
0x22: {  	_ = 	snop;
	(pc) =	sbr.rel @p0 .LBB2_2-.Ltmp0, $4  }
0x23: {  	_ = 	snop  }
0x24: {  	s16 =	sadd.s32 $0x160, s16  }
0x25: {  	_ =	swait.ge [sflag:s14], $0x580  }
0x26: {  	[sflag:s14] =	ssyncset.done $0x0  }
0x27: {  	[sflag:s14] =	ssyncadd.s32 $0xFFFFFA80  }
0x28: {  	_ =	swait.ge [sflag:s14], $0x580  }
0x29: {  	s15 =	sadd.s32 $0x1, s15;
	[sflag:s14] =	ssyncset.done $0x0  }
0x2a: {  	p0 =	sne.s32 s15, s8;
	[sflag:s14] =	ssyncadd.s32 $0xFFFFFA80  }
.Ltmp1:
0x2b: {  	[bflag:$0x0] =	sbarrier.arrive $0xFFFF;
	(pc) =	sbr.rel @p0 .LBB2_1-.Ltmp1, $4  }
0x2c: {  	[hbm:s7], [sflag:s11] =	dma.local [spmem:s12], $0x500  }
0x2d: {  	_ =	swait.ge [sflag:s9], $0x500  }
0x2e: {  	[sflag:s9] =	ssyncset.done $0x0  }
0x2f: {  	[sflag:s9] =	ssyncadd.s32 $0xFFFFFB00  }
0x30: {  	_ =	sfence.sel $0x180000  }
0x31: {  	[bflag:$0x0] =	sbarrier.arrive $0xFFFF  }
0x32: {  	p0 =	sne.s32 s1, $0x0;
	_ =	strace $0x90000047  }
0x33: {  	s0 =	sadd.s32 @!p0 $0x100000, s0;
	[bflag:$0x2] =	sbarrier.arrive $0xFFFF  }
0x34: {  	[sflag:s0] =	ssyncadd.tile.s32 @!p0 $0x1;
	_ =	shalt  }
.Lfunc_end2:
_tile_overlayer_lowered:
.L_overlay_start_2:
0x35: {  	(tag) =	ssettag $0x2  }
0x36: {  	s0 =	rddreg [dreg:$0x0];
	s2 =	stileid.u32  }
0x37: {  	s1 =	rddreg [dreg:$0x1];
	p0 =	sne.s32 s2, $0x0  }
0x38: {  	s3 =	rddreg [dreg:$0x2];
	[bflag:$0x3] =	sbarrier.arrive $0xFFFF;
	s2 =	simm.s32 @!p0 $0x1C02  }
0x39: {  	[timem:s3], [sflag:s2] =	dma.local @!p0 [hbm:s0], s1  }
0x3a: {  	s0 =	simm.s32 @!p0 $0x2  }
0x3b: {  	_ =	swait.ge @!p0 [sflag:s0], s1  }
0x3c: {  	s1 =	ssub.s32 @!p0 $0x0, s1;
	[sflag:s0] =	ssyncset.done @!p0 $0x0  }
0x3d: {  	[sflag:s0] =	ssyncadd.s32 @!p0 s1  }
0x3e: {  	[bflag:$0x3] =	sbarrier.arrive $0xFFFF  }
0x3f: {  	_ =	shalt  }

</sc_bundles>
